<compile_context>
chip_gen: v7x
topology: tpu7x:2x2x1
jax: 0.10.2.dev20260603
libtpu: 0.0.44.dev20260713+nightly
codegen_flags: <defaults>
</compile_context>

<pallas_src>
import functools

import jax
import jax.numpy as jnp
from jax import lax
from jax.experimental import pallas as pl
from jax.experimental.pallas import tpu as pltpu
from jax.experimental.pallas import tpu_sc as plsc

T = 2048
D = 1024
E = 64
F = 512
BT = 64
NB = 96
NBT = NB * BT


NBV = NB + 8


def _router_body(x_ref, wg_ref, logits_ref, pos_ref, be_ref):
    x = x_ref[...]
    wg = wg_ref[...]
    logits = jnp.dot(x, wg, preferred_element_type=jnp.float32)
    logits_ref[...] = logits
    m = jnp.max(logits, axis=1, keepdims=True)
    col = lax.broadcasted_iota(jnp.int32, (T, E), 1)
    eid = jnp.min(jnp.where(logits == m, col, E), axis=1, keepdims=True)
    oh = (col == eid).astype(jnp.float32)
    ch = 256
    r = lax.broadcasted_iota(jnp.int32, (ch, ch), 0)
    c2 = lax.broadcasted_iota(jnp.int32, (ch, ch), 1)
    ltri = (c2 < r).astype(jnp.float32)
    carry = jnp.zeros((1, E), jnp.float32)
    ranks = []
    for k in range(T // ch):
        ohk = oh[k * ch:(k + 1) * ch]
        cum = jnp.dot(ltri, ohk, preferred_element_type=jnp.float32) + carry
        ranks.append(jnp.sum(cum * ohk, axis=1, keepdims=True))
        carry = carry + jnp.sum(ohk, axis=0, keepdims=True)
    rank = jnp.concatenate(ranks, axis=0)
    counts = carry
    nblk = jnp.floor((counts + (BT - 1)) * (1.0 / BT))
    re = lax.broadcasted_iota(jnp.int32, (E, E), 0)
    ce = lax.broadcasted_iota(jnp.int32, (E, E), 1)
    tri = (re <= ce).astype(jnp.float32)
    blk_cum = jnp.dot(nblk, tri, preferred_element_type=jnp.float32)
    pstart = (blk_cum - nblk) * BT
    pos = jnp.sum(oh * pstart, axis=1, keepdims=True) + rank
    pos_ref[...] = pos.astype(jnp.int32)
    rowi = lax.broadcasted_iota(jnp.int32, (NBV, E), 0).astype(jnp.float32)
    becnt = jnp.sum((jnp.broadcast_to(blk_cum, (NBV, E)) <= rowi)
                    .astype(jnp.float32), axis=1, keepdims=True)
    total = blk_cum[:, E - 1:E]
    lastexp = jnp.max(ce[:1].astype(jnp.float32) * (nblk > 0), axis=1,
                      keepdims=True)
    rowi1 = lax.broadcasted_iota(jnp.int32, (NBV, 1), 0).astype(jnp.float32)
    bevec = jnp.where(rowi1 < total, jnp.minimum(becnt, E - 1),
                      jnp.broadcast_to(lastexp, (NBV, 1)))
    bevec = jnp.where(rowi1 == NB, jnp.broadcast_to(total, (NBV, 1)), bevec)
    be_ref[...] = bevec.astype(jnp.int32)


def _router(x, wg):
    return pl.pallas_call(
        _router_body,
        out_shape=[
            jax.ShapeDtypeStruct((T, E), jnp.float32),
            jax.ShapeDtypeStruct((T, 1), jnp.int32),
            jax.ShapeDtypeStruct((NBV, 1), jnp.int32),
        ],
    )(x, wg)


def _sc_gather_body(nch, ch, bpw, table_ref, idx_ref, out_ref, idx_v, rows_v, sem):
    info = plsc.get_sparse_core_info()
    nc = info.num_cores
    wid = lax.axis_index("s") * nc + lax.axis_index("c")
    for c in range(nch):
        base = wid * bpw + c * ch
        pltpu.sync_copy(idx_ref.at[pl.ds(base, ch)], idx_v)
        pltpu.async_copy(table_ref.at[idx_v], rows_v, sem).wait()
        pltpu.sync_copy(rows_v, out_ref.at[pl.ds(base, ch)])


def _sc_scatter_body(ch, bpw, rows_hbm, pos_hbm, out_ref, idx_v, rows_v, sem):
    info = plsc.get_sparse_core_info()
    nc = info.num_cores
    wid = lax.axis_index("s") * nc + lax.axis_index("c")
    base = wid * bpw
    pltpu.sync_copy(pos_hbm.at[pl.ds(base, ch)], idx_v)
    pltpu.sync_copy(rows_hbm.at[pl.ds(base, ch)], rows_v)
    pltpu.async_copy(rows_v, out_ref.at[idx_v], sem).wait()


def _sc_scatter(rows, pos, nbt):
    b, d = rows.shape
    info = plsc.get_sparse_core_info()
    nw = info.num_cores * info.num_subcores
    bpw = b // nw
    mesh = plsc.VectorSubcoreMesh(core_axis_name="c", subcore_axis_name="s")
    fn = pl.kernel(
        functools.partial(_sc_scatter_body, bpw, bpw),
        mesh=mesh,
        out_type=jax.ShapeDtypeStruct((nbt, d), rows.dtype),
        scratch_types=[
            pltpu.VMEM((bpw,), jnp.int32),
            pltpu.VMEM((bpw, d), rows.dtype),
            pltpu.SemaphoreType.DMA,
        ],
    )
    return fn(rows, pos)


def _sc_gather(table, idx):
    b = idx.shape[0]
    info = plsc.get_sparse_core_info()
    nw = info.num_cores * info.num_subcores
    bpw = b // nw
    ch = min(bpw, 64)
    nch = bpw // ch
    mesh = plsc.VectorSubcoreMesh(core_axis_name="c", subcore_axis_name="s")
    fn = pl.kernel(
        functools.partial(_sc_gather_body, nch, ch, bpw),
        mesh=mesh,
        out_type=jax.ShapeDtypeStruct((b, table.shape[1]), table.dtype),
        scratch_types=[
            pltpu.VMEM((ch,), jnp.int32),
            pltpu.VMEM((ch, table.shape[1]), table.dtype),
            pltpu.SemaphoreType.DMA,
        ],
    )
    return fn(table, idx)


def _ffn_body(be_ref, tb_ref, x_ref, w1_ref, w3_ref, w2_ref, y_ref):
    i = pl.program_id(0)

    @pl.when(i < tb_ref[0])
    def _():
        x = x_ref[...]
        h1 = jnp.dot(x, w1_ref[0], preferred_element_type=jnp.float32)
        h3 = jnp.dot(x, w3_ref[0], preferred_element_type=jnp.float32)
        h = h1 * (1.0 / (1.0 + jnp.exp(-h1))) * h3
        y_ref[...] = jnp.dot(h, w2_ref[0], preferred_element_type=jnp.float32)


def _ffn(x_pad, be, tb, W1, W3, W2):
    grid_spec = pltpu.PrefetchScalarGridSpec(
        num_scalar_prefetch=2,
        grid=(NB,),
        in_specs=[
            pl.BlockSpec((BT, D),
                         lambda i, be, tb: (jnp.where(i < tb[0], i, 0), 0)),
            pl.BlockSpec((1, D, F), lambda i, be, tb: (be[i], 0, 0)),
            pl.BlockSpec((1, D, F), lambda i, be, tb: (be[i], 0, 0)),
            pl.BlockSpec((1, F, D), lambda i, be, tb: (be[i], 0, 0)),
        ],
        out_specs=pl.BlockSpec((BT, D),
                               lambda i, be, tb: (jnp.where(i < tb[0], i, NB),
                                                  0)),
    )
    return pl.pallas_call(
        _ffn_body,
        grid_spec=grid_spec,
        out_shape=jax.ShapeDtypeStruct((NBT + BT, D), jnp.float32),
    )(be, tb, x_pad, W1, W3, W2)


def kernel(hidden_states, Wg, W1, W3, W2):
    b, s, d = hidden_states.shape
    x = hidden_states.reshape(-1, d)

    logits, pos2, bevec = _router(x, Wg)
    pos = pos2[:, 0]

    be = bevec[:NB, 0]
    tb = bevec[NB, 0][None]

    x_pad = _sc_scatter(x, pos, NBT)
    y_pad = _ffn(x_pad, be, tb, W1, W3, W2)
    out = _sc_gather(y_pad, pos.astype(jnp.int32))

    return out.reshape(b, s, d), logits

# --- scband reference (transcript-rebuilt; emitter-appended) ---
"""Pipeline reference for scband-ol-mo-esparse-mo-e-81097572483290 (READ-ONLY COPY).

The authoritative reference and input builder live on the scoring server;
editing this copy changes nothing except your own understanding.
"""

import jax, jax.numpy as jnp
import numpy as np

B, S, D, E, F, TOP_K = 1, 2048, 1024, 64, 512, 1

def setup_inputs(seed: int = 0) -> dict:
    key = jax.random.key(seed)
    ks = jax.random.split(key, 5)
    hidden_states = jax.random.normal(ks[0], (B, S, D), dtype=jnp.float32)
    Wg = jax.random.normal(ks[1], (D, E), dtype=jnp.float32) * 0.02
    W1 = jax.random.normal(ks[2], (E, D, F), dtype=jnp.float32) * 0.02
    W3 = jax.random.normal(ks[3], (E, D, F), dtype=jnp.float32) * 0.02
    W2 = jax.random.normal(ks[4], (E, F, D), dtype=jnp.float32) * 0.02
    return {"hidden_states": hidden_states, "Wg": Wg, "W1": W1, "W3": W3, "W2": W2}

def reference(hidden_states, Wg, W1, W3, W2):
    b, s, d = hidden_states.shape
    x = hidden_states.reshape(-1, d)  # (T, D)
    # Router: gate linear -> top-k -> softmax over top-k logits
    router_logits = x @ Wg  # (T, E)
    top_k_logits, selected_experts = jax.lax.top_k(router_logits, TOP_K)  # (T, k)
    routing_weights = jax.nn.softmax(top_k_logits, axis=-1)  # (T, k)
    # Expert computation: faithful math via per-expert masked weight
    # (token weight is routing_weight where selected, else 0; equivalent to
    # gather tokens -> expert FFN -> scale -> index_add in the torch code)
    out = jnp.zeros_like(x)
    n_experts = Wg.shape[1]
    for e in range(n_experts):
        mask = (selected_experts == e).astype(x.dtype)  # (T, k)
        w = jnp.sum(mask * routing_weights, axis=-1)  # (T,)
        h = jax.nn.silu(x @ W1[e]) * (x @ W3[e])  # SwiGLU FFN
        y = h @ W2[e]  # (T, D)
        out = out + w[:, None] * y
    final_output = out.reshape(b, s, d)
    return final_output, router_logits

if False:  # reference __main__ guard neutralized (emitter)
    inp = setup_inputs()
    o, lg = reference(**inp)
    print(o.shape, lg.shape)

if __name__ == "__main__":
    import jax
    _d = setup_inputs()
    print(jax.jit(kernel)(*tuple(_d.values())))

</pallas_src>

<mosaic_0001>
#map = affine_map<(d0, d1) -> (0, 0)>
#map1 = affine_map<(d0, d1) -> (0)>
module attributes {stable_mosaic.version = 14 : i64} {
  func.func @_sc_scatter_body(%arg0: i32, %arg1: i32, %arg2: memref<2048x1024xf32, #tpu.memory_space<hbm>>, %arg3: memref<2048xi32, #tpu.memory_space<hbm>>, %arg4: memref<6144x1024xf32, #tpu.memory_space<hbm>>, %arg5: memref<64xi32, #tpu.memory_space<vmem>>, %arg6: memref<64x1024xf32, #tpu.memory_space<vmem>>, %arg7: memref<!tpu.dma_semaphore, #tpu.memory_space<semaphore_mem>>) attributes {dimension_semantics = [#tpu.dimension_semantics<core_parallel>, #tpu.dimension_semantics<subcore_parallel>], iteration_bounds = array<i64: 2, 16>, scalar_prefetch = 0 : i64, scratch_operands = 3 : i64, tpu.core_type = #tpu.core_type<sc_vector_subcore>, window_params = [{transform_indices = #map}, {transform_indices = #map1}, {transform_indices = #map}]} {
    %mul3A = arith.constant 2 : i32
    %mul3A_0 = arith.muli %arg1, %mul3A : i32
    %add3A = arith.addi %mul3A_0, %arg0 : i32
    %mul3A_1 = arith.constant 64 : i32
    %mul3A_2 = arith.muli %add3A, %mul3A_1 : i32
    "tpu.region"() ({
      %run_scoped3A = tpu.sem_alloc : memref<!tpu.dma_semaphore, #tpu.memory_space<semaphore_mem>>
      %dma_start3A_7 = tpu.memref_slice %arg3[%mul3A_2] : memref<2048xi32, #tpu.memory_space<hbm>> -> memref<64xi32, #tpu.memory_space<hbm>>
      %dma_start3A_8 = tpu.memref_slice %arg3[%mul3A_2] : memref<2048xi32, #tpu.memory_space<hbm>> -> memref<64xi32, #tpu.memory_space<hbm>>
      tpu.enqueue_dma source(%dma_start3A_8 : memref<64xi32, #tpu.memory_space<hbm>>) target(%arg5 : memref<64xi32, #tpu.memory_space<vmem>>) target_semaphore(%run_scoped3A : memref<!tpu.dma_semaphore, #tpu.memory_space<semaphore_mem>>)
      %dma_wait3A_9 = tpu.memref_slice %arg3[%mul3A_2] : memref<2048xi32, #tpu.memory_space<hbm>> -> memref<64xi32, #tpu.memory_space<hbm>>
      %dma_wait3A_10 = tpu.memref_slice %arg3[%mul3A_2] : memref<2048xi32, #tpu.memory_space<hbm>> -> memref<64xi32, #tpu.memory_space<hbm>>
      tpu.wait_dma2 semaphore(%run_scoped3A : memref<!tpu.dma_semaphore, #tpu.memory_space<semaphore_mem>>) src(%dma_wait3A_10 : memref<64xi32, #tpu.memory_space<hbm>>) dst(%arg5 : memref<64xi32, #tpu.memory_space<vmem>>)
      tpu.yield
    }) : () -> ()
    "tpu.region"() ({
      %run_scoped3A = tpu.sem_alloc : memref<!tpu.dma_semaphore, #tpu.memory_space<semaphore_mem>>
      %dma_start3A_7 = arith.constant 0 : i32
      %dma_start3A_8 = tpu.memref_slice %arg2[%mul3A_2, %dma_start3A_7] : memref<2048x1024xf32, #tpu.memory_space<hbm>> -> memref<64x1024xf32, #tpu.memory_space<hbm>>
      %dma_start3A_9 = arith.constant 0 : i32
      %dma_start3A_10 = tpu.memref_slice %arg2[%mul3A_2, %dma_start3A_9] : memref<2048x1024xf32, #tpu.memory_space<hbm>> -> memref<64x1024xf32, #tpu.memory_space<hbm>>
      tpu.enqueue_dma source(%dma_start3A_10 : memref<64x1024xf32, #tpu.memory_space<hbm>>) target(%arg6 : memref<64x1024xf32, #tpu.memory_space<vmem>>) target_semaphore(%run_scoped3A : memref<!tpu.dma_semaphore, #tpu.memory_space<semaphore_mem>>)
      %dma_wait3A_11 = arith.constant 0 : i32
      %dma_wait3A_12 = tpu.memref_slice %arg2[%mul3A_2, %dma_wait3A_11] : memref<2048x1024xf32, #tpu.memory_space<hbm>> -> memref<64x1024xf32, #tpu.memory_space<hbm>>
      %dma_wait3A_13 = arith.constant 0 : i32
      %dma_wait3A_14 = tpu.memref_slice %arg2[%mul3A_2, %dma_wait3A_13] : memref<2048x1024xf32, #tpu.memory_space<hbm>> -> memref<64x1024xf32, #tpu.memory_space<hbm>>
      tpu.wait_dma2 semaphore(%run_scoped3A : memref<!tpu.dma_semaphore, #tpu.memory_space<semaphore_mem>>) src(%dma_wait3A_14 : memref<64x1024xf32, #tpu.memory_space<hbm>>) dst(%arg6 : memref<64x1024xf32, #tpu.memory_space<vmem>>)
      tpu.yield
    }) : () -> ()
    %dma_start3A = arith.constant 0 : i32
    %dma_start3A_3 = arith.constant 0 : i32
    %dma_start3A_4 = tpu.memref_slice %arg4[%dma_start3A, %dma_start3A_3] : memref<6144x1024xf32, #tpu.memory_space<hbm>> -> memref<6144x1024xf32, #tpu.memory_space<hbm>>
    tpu.enqueue_indirect_dma source(%arg6 : memref<64x1024xf32, #tpu.memory_space<vmem>>) target(%dma_start3A_4 : memref<6144x1024xf32, #tpu.memory_space<hbm>>) offsets(%arg5 : memref<64xi32, #tpu.memory_space<vmem>>) semaphore(%arg7 : memref<!tpu.dma_semaphore, #tpu.memory_space<semaphore_mem>>)
    %dma_wait3A = arith.constant 0 : i32
    %dma_wait3A_5 = arith.constant 0 : i32
    %dma_wait3A_6 = tpu.memref_slice %arg4[%dma_wait3A, %dma_wait3A_5] : memref<6144x1024xf32, #tpu.memory_space<hbm>> -> memref<6144x1024xf32, #tpu.memory_space<hbm>>
    tpu.wait_indirect_dma semaphore(%arg7 : memref<!tpu.dma_semaphore, #tpu.memory_space<semaphore_mem>>) src(%arg6 : memref<64x1024xf32, #tpu.memory_space<vmem>>) dst(%dma_wait3A_6 : memref<6144x1024xf32, #tpu.memory_space<hbm>>)
    return
  }
}

#map = affine_map<(d0, d1) -> (0, 0)>
#map1 = affine_map<(d0, d1) -> (0)>
module attributes {stable_mosaic.version = 14 : i64} {
  func.func @_sc_gather_body(%arg0: i32, %arg1: i32, %arg2: memref<6208x1024xf32, #tpu.memory_space<hbm>>, %arg3: memref<2048xi32, #tpu.memory_space<hbm>>, %arg4: memref<2048x1024xf32, #tpu.memory_space<hbm>>, %arg5: memref<64xi32, #tpu.memory_space<vmem>>, %arg6: memref<64x1024xf32, #tpu.memory_space<vmem>>, %arg7: memref<!tpu.dma_semaphore, #tpu.memory_space<semaphore_mem>>) attributes {dimension_semantics = [#tpu.dimension_semantics<core_parallel>, #tpu.dimension_semantics<subcore_parallel>], iteration_bounds = array<i64: 2, 16>, scalar_prefetch = 0 : i64, scratch_operands = 3 : i64, tpu.core_type = #tpu.core_type<sc_vector_subcore>, window_params = [{transform_indices = #map}, {transform_indices = #map1}, {transform_indices = #map}]} {
    %mul3A = arith.constant 2 : i32
    %mul3A_0 = arith.muli %arg1, %mul3A : i32
    %add3A = arith.addi %mul3A_0, %arg0 : i32
    %mul3A_1 = arith.constant 64 : i32
    %mul3A_2 = arith.muli %add3A, %mul3A_1 : i32
    %add3A_3 = arith.constant 0 : i32
    %add3A_4 = arith.addi %mul3A_2, %add3A_3 : i32
    "tpu.region"() ({
      %run_scoped3A = tpu.sem_alloc : memref<!tpu.dma_semaphore, #tpu.memory_space<semaphore_mem>>
      %dma_start3A_9 = tpu.memref_slice %arg3[%add3A_4] : memref<2048xi32, #tpu.memory_space<hbm>> -> memref<64xi32, #tpu.memory_space<hbm>>
      %dma_start3A_10 = tpu.memref_slice %arg3[%add3A_4] : memref<2048xi32, #tpu.memory_space<hbm>> -> memref<64xi32, #tpu.memory_space<hbm>>
      tpu.enqueue_dma source(%dma_start3A_10 : memref<64xi32, #tpu.memory_space<hbm>>) target(%arg5 : memref<64xi32, #tpu.memory_space<vmem>>) target_semaphore(%run_scoped3A : memref<!tpu.dma_semaphore, #tpu.memory_space<semaphore_mem>>)
      %dma_wait3A_11 = tpu.memref_slice %arg3[%add3A_4] : memref<2048xi32, #tpu.memory_space<hbm>> -> memref<64xi32, #tpu.memory_space<hbm>>
      %dma_wait3A_12 = tpu.memref_slice %arg3[%add3A_4] : memref<2048xi32, #tpu.memory_space<hbm>> -> memref<64xi32, #tpu.memory_space<hbm>>
      tpu.wait_dma2 semaphore(%run_scoped3A : memref<!tpu.dma_semaphore, #tpu.memory_space<semaphore_mem>>) src(%dma_wait3A_12 : memref<64xi32, #tpu.memory_space<hbm>>) dst(%arg5 : memref<64xi32, #tpu.memory_space<vmem>>)
      tpu.yield
    }) : () -> ()
    %dma_start3A = arith.constant 0 : i32
    %dma_start3A_5 = arith.constant 0 : i32
    %dma_start3A_6 = tpu.memref_slice %arg2[%dma_start3A, %dma_start3A_5] : memref<6208x1024xf32, #tpu.memory_space<hbm>> -> memref<6208x1024xf32, #tpu.memory_space<hbm>>
    tpu.enqueue_indirect_dma source(%dma_start3A_6 : memref<6208x1024xf32, #tpu.memory_space<hbm>>) target(%arg6 : memref<64x1024xf32, #tpu.memory_space<vmem>>) offsets(%arg5 : memref<64xi32, #tpu.memory_space<vmem>>) semaphore(%arg7 : memref<!tpu.dma_semaphore, #tpu.memory_space<semaphore_mem>>)
    %dma_wait3A = arith.constant 0 : i32
    %dma_wait3A_7 = arith.constant 0 : i32
    %dma_wait3A_8 = tpu.memref_slice %arg2[%dma_wait3A, %dma_wait3A_7] : memref<6208x1024xf32, #tpu.memory_space<hbm>> -> memref<6208x1024xf32, #tpu.memory_space<hbm>>
    tpu.wait_indirect_dma semaphore(%arg7 : memref<!tpu.dma_semaphore, #tpu.memory_space<semaphore_mem>>) src(%dma_wait3A_8 : memref<6208x1024xf32, #tpu.memory_space<hbm>>) dst(%arg6 : memref<64x1024xf32, #tpu.memory_space<vmem>>)
    "tpu.region"() ({
      %run_scoped3A = tpu.sem_alloc : memref<!tpu.dma_semaphore, #tpu.memory_space<semaphore_mem>>
      %dma_start3A_9 = arith.constant 0 : i32
      %dma_start3A_10 = tpu.memref_slice %arg4[%add3A_4, %dma_start3A_9] : memref<2048x1024xf32, #tpu.memory_space<hbm>> -> memref<64x1024xf32, #tpu.memory_space<hbm>>
      %dma_start3A_11 = arith.constant 0 : i32
      %dma_start3A_12 = tpu.memref_slice %arg4[%add3A_4, %dma_start3A_11] : memref<2048x1024xf32, #tpu.memory_space<hbm>> -> memref<64x1024xf32, #tpu.memory_space<hbm>>
      tpu.enqueue_dma source(%arg6 : memref<64x1024xf32, #tpu.memory_space<vmem>>) target(%dma_start3A_12 : memref<64x1024xf32, #tpu.memory_space<hbm>>) target_semaphore(%run_scoped3A : memref<!tpu.dma_semaphore, #tpu.memory_space<semaphore_mem>>)
      %dma_wait3A_13 = arith.constant 0 : i32
      %dma_wait3A_14 = tpu.memref_slice %arg4[%add3A_4, %dma_wait3A_13] : memref<2048x1024xf32, #tpu.memory_space<hbm>> -> memref<64x1024xf32, #tpu.memory_space<hbm>>
      %dma_wait3A_15 = arith.constant 0 : i32
      %dma_wait3A_16 = tpu.memref_slice %arg4[%add3A_4, %dma_wait3A_15] : memref<2048x1024xf32, #tpu.memory_space<hbm>> -> memref<64x1024xf32, #tpu.memory_space<hbm>>
      tpu.wait_dma2 semaphore(%run_scoped3A : memref<!tpu.dma_semaphore, #tpu.memory_space<semaphore_mem>>) src(%arg6 : memref<64x1024xf32, #tpu.memory_space<vmem>>) dst(%dma_wait3A_16 : memref<64x1024xf32, #tpu.memory_space<hbm>>)
      tpu.yield
    }) : () -> ()
    return
  }
}

module attributes {stable_mosaic.version = 14 : i64} {
  func.func @_router_body(%arg0: memref<2048x1024xf32, #tpu.memory_space<vmem>>, %arg1: memref<1024x64xf32, #tpu.memory_space<vmem>>, %arg2: memref<2048x64xf32, #tpu.memory_space<vmem>>, %arg3: memref<2048x1xi32, #tpu.memory_space<vmem>>, %arg4: memref<104x1xi32, #tpu.memory_space<vmem>>) attributes {dimension_semantics = [], scalar_prefetch = 0 : i64, scratch_operands = 0 : i64, tpu.core_type = #tpu.core_type<tc>} {
    %get3A = arith.constant 0 : index
    %get3A_0 = arith.constant 0 : index
    %get3A_1 = vector.load %arg0[%get3A, %get3A_0] : memref<2048x1024xf32, #tpu.memory_space<vmem>>, vector<2048x1024xf32>
    %get3A_2 = arith.constant 0 : index
    %get3A_3 = arith.constant 0 : index
    %get3A_4 = vector.load %arg1[%get3A_2, %get3A_3] : memref<1024x64xf32, #tpu.memory_space<vmem>>, vector<1024x64xf32>
    %dot_general3A = arith.constant dense<0.000000e+00> : vector<2048x64xf32>
    %dot_general3A_5 = tpu.matmul %get3A_1, %get3A_4, %dot_general3A {dimension_numbers = #tpu.dot_dimension_numbers<[1], [0], [0], [1], [0, 0, 1, 1], [], []>, transpose_lhs_hint = false} : vector<2048x1024xf32>, vector<1024x64xf32>, vector<2048x64xf32> -> vector<2048x64xf32>
    %swap3A = arith.constant 0 : index
    %swap3A_6 = arith.constant 0 : index
    %swap3A_7 = vector.load %arg2[%swap3A, %swap3A_6] : memref<2048x64xf32, #tpu.memory_space<vmem>>, vector<2048x64xf32>
    tpu.vector_store %arg2[%swap3A, %swap3A_6], %dot_general3A_5 {strides = array<i32>} : memref<2048x64xf32, #tpu.memory_space<vmem>>, vector<2048x64xf32>,
    %reduce_max3A = arith.constant dense<0xFF800000> : vector<2048xf32>
    %reduce_max3A_8 = vector.multi_reduction <maximumf>, %dot_general3A_5, %reduce_max3A [1] : vector<2048x64xf32> to vector<2048xf32>
    %broadcast_in_dim3A = vector.shape_cast %reduce_max3A_8 : vector<2048xf32> to vector<2048x1xf32>
    %iota3A = tpu.iota {dimensions = array<i32: 1>} : vector<2048x64xi32>
    %eq3A = vector.broadcast %broadcast_in_dim3A : vector<2048x1xf32> to vector<2048x64xf32>
    %eq3A_9 = arith.cmpf oeq, %dot_general3A_5, %eq3A : vector<2048x64xf32>
    %jit3A = arith.constant 64 : i32
    %broadcast_in_dim3A_10 = vector.broadcast %jit3A : i32 to vector<2048x64xi32>
    %select_n3A = arith.select %eq3A_9, %iota3A, %broadcast_in_dim3A_10 : vector<2048x64xi1>, vector<2048x64xi32>
    %reduce_min3A = arith.constant dense<2147483647> : vector<2048xi32>
    %reduce_min3A_11 = vector.multi_reduction <minsi>, %select_n3A, %reduce_min3A [1] : vector<2048x64xi32> to vector<2048xi32>
    %broadcast_in_dim3A_12 = vector.shape_cast %reduce_min3A_11 : vector<2048xi32> to vector<2048x1xi32>
    %eq3A_13 = vector.broadcast %broadcast_in_dim3A_12 : vector<2048x1xi32> to vector<2048x64xi32>
    %eq3A_14 = arith.cmpi eq, %iota3A, %eq3A_13 : vector<2048x64xi32>
    %convert_element_type3A = arith.extui %eq3A_14 : vector<2048x64xi1> to vector<2048x64xi32>
    %convert_element_type3A_15 = arith.sitofp %convert_element_type3A : vector<2048x64xi32> to vector<2048x64xf32>
    %iota3A_16 = tpu.iota {dimensions = array<i32: 0>} : vector<256x256xi32>
    %iota3A_17 = tpu.iota {dimensions = array<i32: 1>} : vector<256x256xi32>
    %lt3A = arith.cmpi slt, %iota3A_17, %iota3A_16 : vector<256x256xi32>
    %convert_element_type3A_18 = arith.extui %lt3A : vector<256x256xi1> to vector<256x256xi32>
    %convert_element_type3A_19 = arith.sitofp %convert_element_type3A_18 : vector<256x256xi32> to vector<256x256xf32>
    %broadcast_in_dim3A_20 = arith.constant 0.000000e+00 : f32
    %broadcast_in_dim3A_21 = vector.broadcast %broadcast_in_dim3A_20 : f32 to vector<1x64xf32>
    %slice3A = vector.extract_strided_slice %convert_element_type3A_15 {offsets = [0, 0], sizes = [256, 64], strides = [1, 1]} : vector<2048x64xf32> to vector<256x64xf32>
    %dot_general3A_22 = arith.constant dense<0.000000e+00> : vector<256x64xf32>
    %dot_general3A_23 = tpu.matmul %convert_element_type3A_19, %slice3A, %dot_general3A_22 {dimension_numbers = #tpu.dot_dimension_numbers<[1], [0], [0], [1], [0, 0, 1, 1], [], []>, transpose_lhs_hint = false} : vector<256x256xf32>, vector<256x64xf32>, vector<256x64xf32> -> vector<256x64xf32>
    %add3A = vector.broadcast %broadcast_in_dim3A_21 : vector<1x64xf32> to vector<256x64xf32>
    %add3A_24 = arith.addf %dot_general3A_23, %add3A : vector<256x64xf32>
    %mul3A = arith.mulf %add3A_24, %slice3A : vector<256x64xf32>
    %reduce_sum3A = arith.constant dense<0.000000e+00> : vector<256xf32>
    %reduce_sum3A_25 = vector.multi_reduction <add>, %mul3A, %reduce_sum3A [1] : vector<256x64xf32> to vector<256xf32>
    %broadcast_in_dim3A_26 = vector.shape_cast %reduce_sum3A_25 : vector<256xf32> to vector<256x1xf32>
    %reduce_sum3A_27 = arith.constant dense<0.000000e+00> : vector<64xf32>
    %reduce_sum3A_28 = vector.multi_reduction <add>, %slice3A, %reduce_sum3A_27 [0] : vector<256x64xf32> to vector<64xf32>
    %broadcast_in_dim3A_29 = vector.shape_cast %reduce_sum3A_28 : vector<64xf32> to vector<1x64xf32>
    %add3A_30 = arith.addf %broadcast_in_dim3A_21, %broadcast_in_dim3A_29 : vector<1x64xf32>
    %slice3A_31 = vector.extract_strided_slice %convert_element_type3A_15 {offsets = [256, 0], sizes = [256, 64], strides = [1, 1]} : vector<2048x64xf32> to vector<256x64xf32>
    %dot_general3A_32 = arith.constant dense<0.000000e+00> : vector<256x64xf32>
    %dot_general3A_33 = tpu.matmul %convert_element_type3A_19, %slice3A_31, %dot_general3A_32 {dimension_numbers = #tpu.dot_dimension_numbers<[1], [0], [0], [1], [0, 0, 1, 1], [], []>, transpose_lhs_hint = false} : vector<256x256xf32>, vector<256x64xf32>, vector<256x64xf32> -> vector<256x64xf32>
    %add3A_34 = vector.broadcast %add3A_30 : vector<1x64xf32> to vector<256x64xf32>
    %add3A_35 = arith.addf %dot_general3A_33, %add3A_34 : vector<256x64xf32>
    %mul3A_36 = arith.mulf %add3A_35, %slice3A_31 : vector<256x64xf32>
    %reduce_sum3A_37 = arith.constant dense<0.000000e+00> : vector<256xf32>
    %reduce_sum3A_38 = vector.multi_reduction <add>, %mul3A_36, %reduce_sum3A_37 [1] : vector<256x64xf32> to vector<256xf32>
    %broadcast_in_dim3A_39 = vector.shape_cast %reduce_sum3A_38 : vector<256xf32> to vector<256x1xf32>
    %reduce_sum3A_40 = arith.constant dense<0.000000e+00> : vector<64xf32>
    %reduce_sum3A_41 = vector.multi_reduction <add>, %slice3A_31, %reduce_sum3A_40 [0] : vector<256x64xf32> to vector<64xf32>
    %broadcast_in_dim3A_42 = vector.shape_cast %reduce_sum3A_41 : vector<64xf32> to vector<1x64xf32>
    %add3A_43 = arith.addf %add3A_30, %broadcast_in_dim3A_42 : vector<1x64xf32>
    %slice3A_44 = vector.extract_strided_slice %convert_element_type3A_15 {offsets = [512, 0], sizes = [256, 64], strides = [1, 1]} : vector<2048x64xf32> to vector<256x64xf32>
    %dot_general3A_45 = arith.constant dense<0.000000e+00> : vector<256x64xf32>
    %dot_general3A_46 = tpu.matmul %convert_element_type3A_19, %slice3A_44, %dot_general3A_45 {dimension_numbers = #tpu.dot_dimension_numbers<[1], [0], [0], [1], [0, 0, 1, 1], [], []>, transpose_lhs_hint = false} : vector<256x256xf32>, vector<256x64xf32>, vector<256x64xf32> -> vector<256x64xf32>
    %add3A_47 = vector.broadcast %add3A_43 : vector<1x64xf32> to vector<256x64xf32>
    %add3A_48 = arith.addf %dot_general3A_46, %add3A_47 : vector<256x64xf32>
    %mul3A_49 = arith.mulf %add3A_48, %slice3A_44 : vector<256x64xf32>
    %reduce_sum3A_50 = arith.constant dense<0.000000e+00> : vector<256xf32>
    %reduce_sum3A_51 = vector.multi_reduction <add>, %mul3A_49, %reduce_sum3A_50 [1] : vector<256x64xf32> to vector<256xf32>
    %broadcast_in_dim3A_52 = vector.shape_cast %reduce_sum3A_51 : vector<256xf32> to vector<256x1xf32>
    %reduce_sum3A_53 = arith.constant dense<0.000000e+00> : vector<64xf32>
    %reduce_sum3A_54 = vector.multi_reduction <add>, %slice3A_44, %reduce_sum3A_53 [0] : vector<256x64xf32> to vector<64xf32>
    %broadcast_in_dim3A_55 = vector.shape_cast %reduce_sum3A_54 : vector<64xf32> to vector<1x64xf32>
    %add3A_56 = arith.addf %add3A_43, %broadcast_in_dim3A_55 : vector<1x64xf32>
    %slice3A_57 = vector.extract_strided_slice %convert_element_type3A_15 {offsets = [768, 0], sizes = [256, 64], strides = [1, 1]} : vector<2048x64xf32> to vector<256x64xf32>
    %dot_general3A_58 = arith.constant dense<0.000000e+00> : vector<256x64xf32>
    %dot_general3A_59 = tpu.matmul %convert_element_type3A_19, %slice3A_57, %dot_general3A_58 {dimension_numbers = #tpu.dot_dimension_numbers<[1], [0], [0], [1], [0, 0, 1, 1], [], []>, transpose_lhs_hint = false} : vector<256x256xf32>, vector<256x64xf32>, vector<256x64xf32> -> vector<256x64xf32>
    %add3A_60 = vector.broadcast %add3A_56 : vector<1x64xf32> to vector<256x64xf32>
    %add3A_61 = arith.addf %dot_general3A_59, %add3A_60 : vector<256x64xf32>
    %mul3A_62 = arith.mulf %add3A_61, %slice3A_57 : vector<256x64xf32>
    %reduce_sum3A_63 = arith.constant dense<0.000000e+00> : vector<256xf32>
    %reduce_sum3A_64 = vector.multi_reduction <add>, %mul3A_62, %reduce_sum3A_63 [1] : vector<256x64xf32> to vector<256xf32>
    %broadcast_in_dim3A_65 = vector.shape_cast %reduce_sum3A_64 : vector<256xf32> to vector<256x1xf32>
    %reduce_sum3A_66 = arith.constant dense<0.000000e+00> : vector<64xf32>
    %reduce_sum3A_67 = vector.multi_reduction <add>, %slice3A_57, %reduce_sum3A_66 [0] : vector<256x64xf32> to vector<64xf32>
    %broadcast_in_dim3A_68 = vector.shape_cast %reduce_sum3A_67 : vector<64xf32> to vector<1x64xf32>
    %add3A_69 = arith.addf %add3A_56, %broadcast_in_dim3A_68 : vector<1x64xf32>
    %slice3A_70 = vector.extract_strided_slice %convert_element_type3A_15 {offsets = [1024, 0], sizes = [256, 64], strides = [1, 1]} : vector<2048x64xf32> to vector<256x64xf32>
    %dot_general3A_71 = arith.constant dense<0.000000e+00> : vector<256x64xf32>
    %dot_general3A_72 = tpu.matmul %convert_element_type3A_19, %slice3A_70, %dot_general3A_71 {dimension_numbers = #tpu.dot_dimension_numbers<[1], [0], [0], [1], [0, 0, 1, 1], [], []>, transpose_lhs_hint = false} : vector<256x256xf32>, vector<256x64xf32>, vector<256x64xf32> -> vector<256x64xf32>
    %add3A_73 = vector.broadcast %add3A_69 : vector<1x64xf32> to vector<256x64xf32>
    %add3A_74 = arith.addf %dot_general3A_72, %add3A_73 : vector<256x64xf32>
    %mul3A_75 = arith.mulf %add3A_74, %slice3A_70 : vector<256x64xf32>
    %reduce_sum3A_76 = arith.constant dense<0.000000e+00> : vector<256xf32>
    %reduce_sum3A_77 = vector.multi_reduction <add>, %mul3A_75, %reduce_sum3A_76 [1] : vector<256x64xf32> to vector<256xf32>
    %broadcast_in_dim3A_78 = vector.shape_cast %reduce_sum3A_77 : vector<256xf32> to vector<256x1xf32>
    %reduce_sum3A_79 = arith.constant dense<0.000000e+00> : vector<64xf32>
    %reduce_sum3A_80 = vector.multi_reduction <add>, %slice3A_70, %reduce_sum3A_79 [0] : vector<256x64xf32> to vector<64xf32>
    %broadcast_in_dim3A_81 = vector.shape_cast %reduce_sum3A_80 : vector<64xf32> to vector<1x64xf32>
    %add3A_82 = arith.addf %add3A_69, %broadcast_in_dim3A_81 : vector<1x64xf32>
    %slice3A_83 = vector.extract_strided_slice %convert_element_type3A_15 {offsets = [1280, 0], sizes = [256, 64], strides = [1, 1]} : vector<2048x64xf32> to vector<256x64xf32>
    %dot_general3A_84 = arith.constant dense<0.000000e+00> : vector<256x64xf32>
    %dot_general3A_85 = tpu.matmul %convert_element_type3A_19, %slice3A_83, %dot_general3A_84 {dimension_numbers = #tpu.dot_dimension_numbers<[1], [0], [0], [1], [0, 0, 1, 1], [], []>, transpose_lhs_hint = false} : vector<256x256xf32>, vector<256x64xf32>, vector<256x64xf32> -> vector<256x64xf32>
    %add3A_86 = vector.broadcast %add3A_82 : vector<1x64xf32> to vector<256x64xf32>
    %add3A_87 = arith.addf %dot_general3A_85, %add3A_86 : vector<256x64xf32>
    %mul3A_88 = arith.mulf %add3A_87, %slice3A_83 : vector<256x64xf32>
    %reduce_sum3A_89 = arith.constant dense<0.000000e+00> : vector<256xf32>
    %reduce_sum3A_90 = vector.multi_reduction <add>, %mul3A_88, %reduce_sum3A_89 [1] : vector<256x64xf32> to vector<256xf32>
    %broadcast_in_dim3A_91 = vector.shape_cast %reduce_sum3A_90 : vector<256xf32> to vector<256x1xf32>
    %reduce_sum3A_92 = arith.constant dense<0.000000e+00> : vector<64xf32>
    %reduce_sum3A_93 = vector.multi_reduction <add>, %slice3A_83, %reduce_sum3A_92 [0] : vector<256x64xf32> to vector<64xf32>
    %broadcast_in_dim3A_94 = vector.shape_cast %reduce_sum3A_93 : vector<64xf32> to vector<1x64xf32>
    %add3A_95 = arith.addf %add3A_82, %broadcast_in_dim3A_94 : vector<1x64xf32>
    %slice3A_96 = vector.extract_strided_slice %convert_element_type3A_15 {offsets = [1536, 0], sizes = [256, 64], strides = [1, 1]} : vector<2048x64xf32> to vector<256x64xf32>
    %dot_general3A_97 = arith.constant dense<0.000000e+00> : vector<256x64xf32>
    %dot_general3A_98 = tpu.matmul %convert_element_type3A_19, %slice3A_96, %dot_general3A_97 {dimension_numbers = #tpu.dot_dimension_numbers<[1], [0], [0], [1], [0, 0, 1, 1], [], []>, transpose_lhs_hint = false} : vector<256x256xf32>, vector<256x64xf32>, vector<256x64xf32> -> vector<256x64xf32>
    %add3A_99 = vector.broadcast %add3A_95 : vector<1x64xf32> to vector<256x64xf32>
    %add3A_100 = arith.addf %dot_general3A_98, %add3A_99 : vector<256x64xf32>
    %mul3A_101 = arith.mulf %add3A_100, %slice3A_96 : vector<256x64xf32>
    %reduce_sum3A_102 = arith.constant dense<0.000000e+00> : vector<256xf32>
    %reduce_sum3A_103 = vector.multi_reduction <add>, %mul3A_101, %reduce_sum3A_102 [1] : vector<256x64xf32> to vector<256xf32>
    %broadcast_in_dim3A_104 = vector.shape_cast %reduce_sum3A_103 : vector<256xf32> to vector<256x1xf32>
    %reduce_sum3A_105 = arith.constant dense<0.000000e+00> : vector<64xf32>
    %reduce_sum3A_106 = vector.multi_reduction <add>, %slice3A_96, %reduce_sum3A_105 [0] : vector<256x64xf32> to vector<64xf32>
    %broadcast_in_dim3A_107 = vector.shape_cast %reduce_sum3A_106 : vector<64xf32> to vector<1x64xf32>
    %add3A_108 = arith.addf %add3A_95, %broadcast_in_dim3A_107 : vector<1x64xf32>
    %slice3A_109 = vector.extract_strided_slice %convert_element_type3A_15 {offsets = [1792, 0], sizes = [256, 64], strides = [1, 1]} : vector<2048x64xf32> to vector<256x64xf32>
    %dot_general3A_110 = arith.constant dense<0.000000e+00> : vector<256x64xf32>
    %dot_general3A_111 = tpu.matmul %convert_element_type3A_19, %slice3A_109, %dot_general3A_110 {dimension_numbers = #tpu.dot_dimension_numbers<[1], [0], [0], [1], [0, 0, 1, 1], [], []>, transpose_lhs_hint = false} : vector<256x256xf32>, vector<256x64xf32>, vector<256x64xf32> -> vector<256x64xf32>
    %add3A_112 = vector.broadcast %add3A_108 : vector<1x64xf32> to vector<256x64xf32>
    %add3A_113 = arith.addf %dot_general3A_111, %add3A_112 : vector<256x64xf32>
    %mul3A_114 = arith.mulf %add3A_113, %slice3A_109 : vector<256x64xf32>
    %reduce_sum3A_115 = arith.constant dense<0.000000e+00> : vector<256xf32>
    %reduce_sum3A_116 = vector.multi_reduction <add>, %mul3A_114, %reduce_sum3A_115 [1] : vector<256x64xf32> to vector<256xf32>
    %broadcast_in_dim3A_117 = vector.shape_cast %reduce_sum3A_116 : vector<256xf32> to vector<256x1xf32>
    %reduce_sum3A_118 = arith.constant dense<0.000000e+00> : vector<64xf32>
    %reduce_sum3A_119 = vector.multi_reduction <add>, %slice3A_109, %reduce_sum3A_118 [0] : vector<256x64xf32> to vector<64xf32>
    %broadcast_in_dim3A_120 = vector.shape_cast %reduce_sum3A_119 : vector<64xf32> to vector<1x64xf32>
    %add3A_121 = arith.addf %add3A_108, %broadcast_in_dim3A_120 : vector<1x64xf32>
    %concatenate3A = tpu.concatenate %broadcast_in_dim3A_26, %broadcast_in_dim3A_39, %broadcast_in_dim3A_52, %broadcast_in_dim3A_65, %broadcast_in_dim3A_78, %broadcast_in_dim3A_91, %broadcast_in_dim3A_104, %broadcast_in_dim3A_117 in 0 : vector<256x1xf32>, vector<256x1xf32>, vector<256x1xf32>, vector<256x1xf32>, vector<256x1xf32>, vector<256x1xf32>, vector<256x1xf32>, vector<256x1xf32> -> vector<2048x1xf32>
    %add3A_122 = arith.constant 6.300000e+01 : f32
    %add3A_123 = vector.broadcast %add3A_122 : f32 to vector<1x64xf32>
    %add3A_124 = arith.addf %add3A_121, %add3A_123 : vector<1x64xf32>
    %mul3A_125 = arith.constant 1.562500e-02 : f32
    %mul3A_126 = vector.broadcast %mul3A_125 : f32 to vector<1x64xf32>
    %mul3A_127 = arith.mulf %add3A_124, %mul3A_126 : vector<1x64xf32>
    %floor3A = math.floor %mul3A_127 : vector<1x64xf32>
    %iota3A_128 = tpu.iota {dimensions = array<i32: 0>} : vector<64x64xi32>
    %iota3A_129 = tpu.iota {dimensions = array<i32: 1>} : vector<64x64xi32>
    %le3A = arith.cmpi sle, %iota3A_128, %iota3A_129 : vector<64x64xi32>
    %convert_element_type3A_130 = arith.extui %le3A : vector<64x64xi1> to vector<64x64xi32>
    %convert_element_type3A_131 = arith.sitofp %convert_element_type3A_130 : vector<64x64xi32> to vector<64x64xf32>
    %dot_general3A_132 = arith.constant dense<0.000000e+00> : vector<1x64xf32>
    %dot_general3A_133 = tpu.matmul %floor3A, %convert_element_type3A_131, %dot_general3A_132 {dimension_numbers = #tpu.dot_dimension_numbers<[1], [0], [0], [1], [0, 0, 1, 1], [], []>, transpose_lhs_hint = false} : vector<1x64xf32>, vector<64x64xf32>, vector<1x64xf32> -> vector<1x64xf32>
    %sub3A = arith.subf %dot_general3A_133, %floor3A : vector<1x64xf32>
    %mul3A_134 = arith.constant 6.400000e+01 : f32
    %mul3A_135 = vector.broadcast %mul3A_134 : f32 to vector<1x64xf32>
    %mul3A_136 = arith.mulf %sub3A, %mul3A_135 : vector<1x64xf32>
    %mul3A_137 = vector.broadcast %mul3A_136 : vector<1x64xf32> to vector<2048x64xf32>
    %mul3A_138 = arith.mulf %convert_element_type3A_15, %mul3A_137 : vector<2048x64xf32>
    %reduce_sum3A_139 = arith.constant dense<0.000000e+00> : vector<2048xf32>
    %reduce_sum3A_140 = vector.multi_reduction <add>, %mul3A_138, %reduce_sum3A_139 [1] : vector<2048x64xf32> to vector<2048xf32>
    %broadcast_in_dim3A_141 = vector.shape_cast %reduce_sum3A_140 : vector<2048xf32> to vector<2048x1xf32>
    %add3A_142 = arith.addf %broadcast_in_dim3A_141, %concatenate3A : vector<2048x1xf32>
    %convert_element_type3A_143 = arith.fptosi %add3A_142 : vector<2048x1xf32> to vector<2048x1xi32>
    %swap3A_144 = arith.constant 0 : index
    %swap3A_145 = arith.constant 0 : index
    %swap3A_146 = vector.load %arg3[%swap3A_144, %swap3A_145] : memref<2048x1xi32, #tpu.memory_space<vmem>>, vector<2048x1xi32>
    tpu.vector_store %arg3[%swap3A_144, %swap3A_145], %convert_element_type3A_143 {strides = array<i32>} : memref<2048x1xi32, #tpu.memory_space<vmem>>, vector<2048x1xi32>,
    %iota3A_147 = tpu.iota {dimensions = array<i32: 0>} : vector<104x64xi32>
    %convert_element_type3A_148 = arith.sitofp %iota3A_147 : vector<104x64xi32> to vector<104x64xf32>
    %broadcast_in_dim3A_149 = vector.shape_cast %dot_general3A_133 : vector<1x64xf32> to vector<1x64xf32>
    %broadcast_in_dim3A_150 = vector.broadcast %broadcast_in_dim3A_149 : vector<1x64xf32> to vector<104x64xf32>
    %le3A_151 = arith.cmpf ole, %broadcast_in_dim3A_150, %convert_element_type3A_148 : vector<104x64xf32>
    %convert_element_type3A_152 = arith.extui %le3A_151 : vector<104x64xi1> to vector<104x64xi32>
    %convert_element_type3A_153 = arith.sitofp %convert_element_type3A_152 : vector<104x64xi32> to vector<104x64xf32>
    %reduce_sum3A_154 = arith.constant dense<0.000000e+00> : vector<104xf32>
    %reduce_sum3A_155 = vector.multi_reduction <add>, %convert_element_type3A_153, %reduce_sum3A_154 [1] : vector<104x64xf32> to vector<104xf32>
    %broadcast_in_dim3A_156 = vector.shape_cast %reduce_sum3A_155 : vector<104xf32> to vector<104x1xf32>
    %slice3A_157 = vector.extract_strided_slice %dot_general3A_133 {offsets = [0, 63], sizes = [1, 1], strides = [1, 1]} : vector<1x64xf32> to vector<1x1xf32>
    %slice3A_158 = vector.extract_strided_slice %iota3A_129 {offsets = [0, 0], sizes = [1, 64], strides = [1, 1]} : vector<64x64xi32> to vector<1x64xi32>
    %convert_element_type3A_159 = arith.sitofp %slice3A_158 : vector<1x64xi32> to vector<1x64xf32>
    %gt3A = arith.constant 0.000000e+00 : f32
    %gt3A_160 = vector.broadcast %gt3A : f32 to vector<1x64xf32>
    %gt3A_161 = arith.cmpf ogt, %floor3A, %gt3A_160 : vector<1x64xf32>
    %convert_element_type3A_162 = arith.extui %gt3A_161 : vector<1x64xi1> to vector<1x64xi32>
    %convert_element_type3A_163 = arith.sitofp %convert_element_type3A_162 : vector<1x64xi32> to vector<1x64xf32>
    %mul3A_164 = arith.mulf %convert_element_type3A_159, %convert_element_type3A_163 : vector<1x64xf32>
    %reduce_max3A_165 = arith.constant dense<0xFF800000> : vector<1xf32>
    %reduce_max3A_166 = vector.multi_reduction <maximumf>, %mul3A_164, %reduce_max3A_165 [1] : vector<1x64xf32> to vector<1xf32>
    %broadcast_in_dim3A_167 = vector.shape_cast %reduce_max3A_166 : vector<1xf32> to vector<1x1xf32>
    %iota3A_168 = tpu.iota {dimensions = array<i32: 0>} : vector<104x1xi32>
    %convert_element_type3A_169 = arith.sitofp %iota3A_168 : vector<104x1xi32> to vector<104x1xf32>
    %lt3A_170 = vector.broadcast %slice3A_157 : vector<1x1xf32> to vector<104x1xf32>
    %lt3A_171 = arith.cmpf olt, %convert_element_type3A_169, %lt3A_170 : vector<104x1xf32>
    %min3A = arith.constant 6.300000e+01 : f32
    %min3A_172 = vector.broadcast %min3A : f32 to vector<104x1xf32>
    %min3A_173 = arith.minimumf %broadcast_in_dim3A_156, %min3A_172 : vector<104x1xf32>
    %broadcast_in_dim3A_174 = vector.shape_cast %broadcast_in_dim3A_167 : vector<1x1xf32> to vector<1x1xf32>
    %broadcast_in_dim3A_175 = vector.broadcast %broadcast_in_dim3A_174 : vector<1x1xf32> to vector<104x1xf32>
    %select_n3A_176 = arith.select %lt3A_171, %min3A_173, %broadcast_in_dim3A_175 : vector<104x1xi1>, vector<104x1xf32>
    %eq3A_177 = arith.constant 9.600000e+01 : f32
    %eq3A_178 = vector.broadcast %eq3A_177 : f32 to vector<104x1xf32>
    %eq3A_179 = arith.cmpf oeq, %convert_element_type3A_169, %eq3A_178 : vector<104x1xf32>
    %broadcast_in_dim3A_180 = vector.shape_cast %slice3A_157 : vector<1x1xf32> to vector<1x1xf32>
    %broadcast_in_dim3A_181 = vector.broadcast %broadcast_in_dim3A_180 : vector<1x1xf32> to vector<104x1xf32>
    %select_n3A_182 = arith.select %eq3A_179, %broadcast_in_dim3A_181, %select_n3A_176 : vector<104x1xi1>, vector<104x1xf32>
    %convert_element_type3A_183 = arith.fptosi %select_n3A_182 : vector<104x1xf32> to vector<104x1xi32>
    %swap3A_184 = arith.constant 0 : index
    %swap3A_185 = arith.constant 0 : index
    %swap3A_186 = vector.load %arg4[%swap3A_184, %swap3A_185] : memref<104x1xi32, #tpu.memory_space<vmem>>, vector<104x1xi32>
    tpu.vector_store %arg4[%swap3A_184, %swap3A_185], %convert_element_type3A_183 {strides = array<i32>} : memref<104x1xi32, #tpu.memory_space<vmem>>, vector<104x1xi32>,
    return
  }
}

module attributes {stable_mosaic.version = 14 : i64} {
  func.func @_ffn_body(%arg0: i32, %arg1: memref<96xi32, #tpu.memory_space<smem>>, %arg2: memref<1xi32, #tpu.memory_space<smem>>, %arg3: memref<64x1024xf32, #tpu.memory_space<vmem>>, %arg4: memref<1x1024x512xf32, #tpu.memory_space<vmem>>, %arg5: memref<1x1024x512xf32, #tpu.memory_space<vmem>>, %arg6: memref<1x512x1024xf32, #tpu.memory_space<vmem>>, %arg7: memref<64x1024xf32, #tpu.memory_space<vmem>>) attributes {dimension_semantics = [#tpu.dimension_semantics<arbitrary>], iteration_bounds = array<i64: 96>, scalar_prefetch = 2 : i64, scratch_operands = 0 : i64, tpu.core_type = #tpu.core_type<tc>, window_params = [{transform_indices = @transform_0, window_bounds = array<i64: 64, 1024>}, {transform_indices = @transform_1, window_bounds = array<i64: 1, 1024, 512>}, {transform_indices = @transform_2, window_bounds = array<i64: 1, 1024, 512>}, {transform_indices = @transform_3, window_bounds = array<i64: 1, 512, 1024>}, {transform_indices = @transform_4, window_bounds = array<i64: 64, 1024>}]} {
    %get3A = arith.constant 0 : index
    %get3A_0 = memref.load %arg2[%get3A] : memref<1xi32, #tpu.memory_space<smem>>
    %lt3A = arith.cmpi slt, %arg0, %get3A_0 : i32
    %convert_element_type3A = arith.extui %lt3A : i1 to i32
    %cond3A = arith.constant 0 : i32
    %cond3A_1 = arith.cmpi ne, %convert_element_type3A, %cond3A : i32
    scf.if %cond3A_1 {
      %get3A_2 = arith.constant 0 : index
      %get3A_3 = arith.constant 0 : index
      %get3A_4 = vector.load %arg3[%get3A_2, %get3A_3] : memref<64x1024xf32, #tpu.memory_space<vmem>>, vector<64x1024xf32>
      %get3A_5 = arith.constant 0 : index
      %get3A_6 = arith.constant 0 : index
      %get3A_7 = arith.constant 0 : index
      %get3A_8 = vector.load %arg4[%get3A_5, %get3A_6, %get3A_7] : memref<1x1024x512xf32, #tpu.memory_space<vmem>>, vector<1x1024x512xf32>
      %get3A_9 = vector.shape_cast %get3A_8 : vector<1x1024x512xf32> to vector<1024x512xf32>
      %dot_general3A = arith.constant dense<0.000000e+00> : vector<64x512xf32>
      %dot_general3A_10 = tpu.matmul %get3A_4, %get3A_9, %dot_general3A {dimension_numbers = #tpu.dot_dimension_numbers<[1], [0], [0], [1], [0, 0, 1, 1], [], []>, transpose_lhs_hint = false} : vector<64x1024xf32>, vector<1024x512xf32>, vector<64x512xf32> -> vector<64x512xf32>
      %get3A_11 = arith.constant 0 : index
      %get3A_12 = arith.constant 0 : index
      %get3A_13 = arith.constant 0 : index
      %get3A_14 = vector.load %arg5[%get3A_11, %get3A_12, %get3A_13] : memref<1x1024x512xf32, #tpu.memory_space<vmem>>, vector<1x1024x512xf32>
      %get3A_15 = vector.shape_cast %get3A_14 : vector<1x1024x512xf32> to vector<1024x512xf32>
      %dot_general3A_16 = arith.constant dense<0.000000e+00> : vector<64x512xf32>
      %dot_general3A_17 = tpu.matmul %get3A_4, %get3A_15, %dot_general3A_16 {dimension_numbers = #tpu.dot_dimension_numbers<[1], [0], [0], [1], [0, 0, 1, 1], [], []>, transpose_lhs_hint = false} : vector<64x1024xf32>, vector<1024x512xf32>, vector<64x512xf32> -> vector<64x512xf32>
      %neg3A = arith.constant 0.000000e+00 : f32
      %neg3A_18 = vector.broadcast %neg3A : f32 to vector<64x512xf32>
      %neg3A_19 = arith.subf %neg3A_18, %dot_general3A_10 : vector<64x512xf32>
      %exp3A = math.exp %neg3A_19 : vector<64x512xf32>
      %add3A = arith.constant 1.000000e+00 : f32
      %add3A_20 = vector.broadcast %add3A : f32 to vector<64x512xf32>
      %add3A_21 = arith.addf %add3A_20, %exp3A : vector<64x512xf32>
      %div3A = arith.constant 1.000000e+00 : f32
      %div3A_22 = vector.broadcast %div3A : f32 to vector<64x512xf32>
      %div3A_23 = arith.divf %div3A_22, %add3A_21 : vector<64x512xf32>
      %mul3A = arith.mulf %dot_general3A_10, %div3A_23 : vector<64x512xf32>
      %mul3A_24 = arith.mulf %mul3A, %dot_general3A_17 : vector<64x512xf32>
      %get3A_25 = arith.constant 0 : index
      %get3A_26 = arith.constant 0 : index
      %get3A_27 = arith.constant 0 : index
      %get3A_28 = vector.load %arg6[%get3A_25, %get3A_26, %get3A_27] : memref<1x512x1024xf32, #tpu.memory_space<vmem>>, vector<1x512x1024xf32>
      %get3A_29 = vector.shape_cast %get3A_28 : vector<1x512x1024xf32> to vector<512x1024xf32>
      %dot_general3A_30 = arith.constant dense<0.000000e+00> : vector<64x1024xf32>
      %dot_general3A_31 = tpu.matmul %mul3A_24, %get3A_29, %dot_general3A_30 {dimension_numbers = #tpu.dot_dimension_numbers<[1], [0], [0], [1], [0, 0, 1, 1], [], []>, transpose_lhs_hint = false} : vector<64x512xf32>, vector<512x1024xf32>, vector<64x1024xf32> -> vector<64x1024xf32>
      %swap3A = arith.constant 0 : index
      %swap3A_32 = arith.constant 0 : index
      %swap3A_33 = vector.load %arg7[%swap3A, %swap3A_32] : memref<64x1024xf32, #tpu.memory_space<vmem>>, vector<64x1024xf32>
      tpu.vector_store %arg7[%swap3A, %swap3A_32], %dot_general3A_31 {strides = array<i32>} : memref<64x1024xf32, #tpu.memory_space<vmem>>, vector<64x1024xf32>,
    } else {
    }
    return
  }
  func.func @transform_0(%arg0: i32, %arg1: memref<96xi32, #tpu.memory_space<smem>>, %arg2: memref<1xi32, #tpu.memory_space<smem>>) -> (i32, i32) {
    %get3A = arith.constant 0 : index
    %get3A_0 = memref.load %arg2[%get3A] : memref<1xi32, #tpu.memory_space<smem>>
    %lt3A = arith.cmpi slt, %arg0, %get3A_0 : i32
    %jit3A = arith.constant 0 : i32
    %select_n3A = arith.select %lt3A, %arg0, %jit3A : i32
    %c0_i32 = arith.constant 0 : i32
    %c0_i32_1 = arith.constant 0 : i32
    return %select_n3A, %c0_i32 : i32, i32
  }
  func.func @transform_1(%arg0: i32, %arg1: memref<96xi32, #tpu.memory_space<smem>>, %arg2: memref<1xi32, #tpu.memory_space<smem>>) -> (i32, i32, i32) {
    %get3A = arith.index_cast %arg0 : i32 to index
    %get3A_0 = memref.load %arg1[%get3A] : memref<96xi32, #tpu.memory_space<smem>>
    %c0_i32 = arith.constant 0 : i32
    %c0_i32_1 = arith.constant 0 : i32
    %c0_i32_2 = arith.constant 0 : i32
    return %get3A_0, %c0_i32, %c0_i32_1 : i32, i32, i32
  }
  func.func @transform_2(%arg0: i32, %arg1: memref<96xi32, #tpu.memory_space<smem>>, %arg2: memref<1xi32, #tpu.memory_space<smem>>) -> (i32, i32, i32) {
    %get3A = arith.index_cast %arg0 : i32 to index
    %get3A_0 = memref.load %arg1[%get3A] : memref<96xi32, #tpu.memory_space<smem>>
    %c0_i32 = arith.constant 0 : i32
    %c0_i32_1 = arith.constant 0 : i32
    %c0_i32_2 = arith.constant 0 : i32
    return %get3A_0, %c0_i32, %c0_i32_1 : i32, i32, i32
  }
  func.func @transform_3(%arg0: i32, %arg1: memref<96xi32, #tpu.memory_space<smem>>, %arg2: memref<1xi32, #tpu.memory_space<smem>>) -> (i32, i32, i32) {
    %get3A = arith.index_cast %arg0 : i32 to index
    %get3A_0 = memref.load %arg1[%get3A] : memref<96xi32, #tpu.memory_space<smem>>
    %c0_i32 = arith.constant 0 : i32
    %c0_i32_1 = arith.constant 0 : i32
    %c0_i32_2 = arith.constant 0 : i32
    return %get3A_0, %c0_i32, %c0_i32_1 : i32, i32, i32
  }
  func.func @transform_4(%arg0: i32, %arg1: memref<96xi32, #tpu.memory_space<smem>>, %arg2: memref<1xi32, #tpu.memory_space<smem>>) -> (i32, i32) {
    %get3A = arith.constant 0 : index
    %get3A_0 = memref.load %arg2[%get3A] : memref<1xi32, #tpu.memory_space<smem>>
    %lt3A = arith.cmpi slt, %arg0, %get3A_0 : i32
    %jit3A = arith.constant 96 : i32
    %select_n3A = arith.select %lt3A, %arg0, %jit3A : i32
    %c0_i32 = arith.constant 0 : i32
    %c0_i32_1 = arith.constant 0 : i32
    return %select_n3A, %c0_i32 : i32, i32
  }
}

</mosaic_0001>

<sc_bundles>
// kernel: kernel.6.cloned.1.call-start
scs
__scs_entry_jumppad:
0x0: {  	(pc) =	sbr.rel $0x88, $3  }
0x1: {  	(tag) =	ssettag $0x0;
	lr =	simm.s32 $0x1  }
0x2: {  	[smem:$0x3F9C] =	sst lr;
	_ =	strace $0xD0000000  }
0x3: {  	_ = 	snop  }
0x4: {  	_ = 	snop  }
0x5: {  	_ = 	snop  }
0x6: {  	_ = 	snop  }
0x7: {  	_ = 	snop  }
__scs_overlays_trampoline_lowered:
0x8: {  	[smem:$0x3FAB] =	sst s0  }
0x9: {  	[smem:$0x3FAC] =	sst s1  }
0xa: {  	[smem:$0x3FAD] =	sst s2  }
0xb: {  	[smem:$0x3FAE] =	sst s3  }
0xc: {  	[smem:$0x3FAF] =	sst s4  }
0xd: {  	[smem:$0x3FB0] =	sst s5  }
0xe: {  	[smem:$0x3FB1] =	sst s6  }
0xf: {  	[smem:$0x3FB2] =	sst s7  }
0x10: {  	[smem:$0x3FB3] =	sst s8  }
0x11: {  	[smem:$0x3FB4] =	sst s9;
	s0 =	simm.s32 @!p0 $0x0  }
0x12: {  	s1 =	sld [smem:$0x3F9A];
	s0 =	simm.s32 @p0 $0x1  }
0x13: {  	[smem:$0x3FB5] =	sst s0;
	s0 =	simm.s32 @!p1 $0x0  }
0x14: {  	s2 =	sld [smem:$0x3F99];
	s0 =	simm.s32 @p1 $0x1  }
0x15: {  	[smem:$0x3FB6] =	sst s0;
	s0 =	simm.s32 @!p2 $0x0  }
0x16: {  	s3 =	sld [smem:$0x3FDB];
	s0 =	simm.s32 @p2 $0x1  }
0x17: {  	s4 =	simm.s32 $0x1BF5;
	[smem:$0x3FB8] =	sst s0  }
0x18: {  	s0 =	sld [smem:$0x3F9B];
	_ =	swait.ge [sflag:s4], $0x0  }
0x19: {  	s7 =	sld [smem:$0x3F9C]  }
0x1a: {  	s8 =	sadd.s32 $0xFFFFE003, lr  }
0x1b: {  	s9 =	sadd.s32 $0xFFFFFEF7, lr;
	s5 =	simm.s32 $0xFFFFFFFF;
	p2 =	slt.u32 s8, $0xFFFFF086  }
0x1c: {  	p1 =	slt.u32 s9, $0xF7A;
	s5 =	simm.s32 @!p2 $0x0  }
0x1d: {  	s5 =	simm.s32 @p1 $0x1;
	p0 =	seq.s32 s7, s2  }
0x1e: {  	s7 =	smul.u32 @!p0 $0xF7A, s2;
	p2 =	seq.s32 @!p0 s5, $0x0  }
0x1f: {  	s9 =	smul.u32 $0xF7A, s1;
	s8 =	simm.s32 @!p0 $0x1BF5;
	p2 =	por !p2, p0  }
0x20: {  	[sflag:s8] =	ssyncset.s32 @!p0 $0xFFFFF086;
	s6 =	sadd.s32 @!p0 s3, s7;
	s7 =	simm.s32 @!p0 $0x108  }
0x21: {  	s3 =	sadd.s32 s3, s9;
	s6 =	sadd.s32 @!p0 $0x88, s6;
	s7 =	simm.s32 @p2 $0x1082  }
0x22: {  	[simem:s7], [sflag:s8] =	dma.local @!p0 [hbm:s6], $0xF7A  }
0x23: {  	s9 =	sor.u32 $0xD0000000, s2;
	s6 =	simm.s32 $0x108;
	_ =	swait.ge @!p0 [sflag:s8], $0x0  }
0x24: {  	s3 =	sadd.s32 $0x88, s3;
	s6 =	simm.s32 @!p1 $0x1082;
	[sflag:s4] =	ssyncset.s32 $0xFFFFF086  }
0x25: {  	[simem:s6], [sflag:s4] =	dma.local [hbm:s3], $0xF7A  }
0x26: {  	[smem:$0x3F9C] =	sst s1;
	(tag) =	ssettag s2;
	_ =	strace s9  }
0x27: {  	s1 =	sld [smem:$0x3FAC]  }
0x28: {  	s2 =	sld [smem:$0x3FAD]  }
0x29: {  	s4 =	sld [smem:$0x3FAF]  }
0x2a: {  	p0 =	seq.s32 s5, $0x0;
	s5 =	sld [smem:$0x3FB0]  }
0x2b: {  	s6 =	sld [smem:$0x3FB1]  }
0x2c: {  	s7 =	sld [smem:$0x3FB2]  }
0x2d: {  	s3 =	simm.s32 $0x108;
	s8 =	sld [smem:$0x3FB3]  }
0x2e: {  	s3 =	simm.s32 @!p0 $0x1082;
	s9 =	sld [smem:$0x3FB4]  }
0x2f: {  	lr =	sadd.s32 s0, s3;
	s0 =	sld [smem:$0x3FAB]  }
0x30: {  	s3 =	sld [smem:$0x3FAE]  }
0x31: {  	[smem:$0x3FB7] =	sst s10  }
0x32: {  	s10 =	sld [smem:$0x3FB5];
	_ =	sdelay $0x3  }
0x33: {  	p0 =	seq.s32 s10, $0x1;
	s10 =	sld [smem:$0x3FB7];
	_ =	sdelay $0x3  }
0x34: {  	[smem:$0x3FB7] =	sst s10  }
0x35: {  	s10 =	sld [smem:$0x3FB6];
	_ =	sdelay $0x3  }
0x36: {  	p1 =	seq.s32 s10, $0x1;
	s10 =	sld [smem:$0x3FB7];
	_ =	sdelay $0x3  }
0x37: {  	[smem:$0x3FB7] =	sst s10  }
0x38: {  	s10 =	sld [smem:$0x3FB8]  }
0x39: {  	_ = 	snop;
	(pc) =	sbr.ind lr, $3  }
0x3a: {  	_ = 	snop  }
0x3b: {  	_ = 	snop  }
0x3c: {  	p2 =	seq.s32 s10, $0x1;
	s10 =	sld [smem:$0x3FB7]  }
0x3d: {  	_ =	shalt  }
0x3e: {  	_ =	shalt  }
0x3f: {  	_ =	shalt  }
0x40: {  	_ =	shalt  }
0x41: {  	_ =	shalt  }
0x42: {  	_ =	shalt  }
0x43: {  	_ =	shalt  }
0x44: {  	_ =	shalt  }
0x45: {  	_ =	shalt  }
0x46: {  	_ =	shalt  }
0x47: {  	_ =	shalt  }
0x48: {  	_ =	shalt  }
0x49: {  	_ =	shalt  }
0x4a: {  	_ =	shalt  }
0x4b: {  	_ =	shalt  }
0x4c: {  	_ =	shalt  }
0x4d: {  	_ =	shalt  }
0x4e: {  	_ =	shalt  }
0x4f: {  	_ =	shalt  }
0x50: {  	_ =	shalt  }
0x51: {  	_ =	shalt  }
0x52: {  	_ =	shalt  }
0x53: {  	_ =	shalt  }
0x54: {  	_ =	shalt  }
0x55: {  	_ =	shalt  }
0x56: {  	_ =	shalt  }
0x57: {  	_ =	shalt  }
0x58: {  	_ =	shalt  }
0x59: {  	_ =	shalt  }
0x5a: {  	_ =	shalt  }
0x5b: {  	_ =	shalt  }
0x5c: {  	_ =	shalt  }
0x5d: {  	_ =	shalt  }
0x5e: {  	_ =	shalt  }
0x5f: {  	_ =	shalt  }
0x60: {  	_ =	shalt  }
0x61: {  	_ =	shalt  }
0x62: {  	_ =	shalt  }
0x63: {  	_ =	shalt  }
0x64: {  	_ =	shalt  }
0x65: {  	_ =	shalt  }
0x66: {  	_ =	shalt  }
0x67: {  	_ =	shalt  }
0x68: {  	_ =	shalt  }
0x69: {  	_ =	shalt  }
0x6a: {  	_ =	shalt  }
0x6b: {  	_ =	shalt  }
0x6c: {  	_ =	shalt  }
0x6d: {  	_ =	shalt  }
0x6e: {  	_ =	shalt  }
0x6f: {  	_ =	shalt  }
0x70: {  	_ =	shalt  }
0x71: {  	_ =	shalt  }
0x72: {  	_ =	shalt  }
0x73: {  	_ =	shalt  }
0x74: {  	_ =	shalt  }
0x75: {  	_ =	shalt  }
0x76: {  	_ =	shalt  }
0x77: {  	_ =	shalt  }
0x78: {  	_ =	shalt  }
0x79: {  	_ =	shalt  }
0x7a: {  	_ =	shalt  }
0x7b: {  	_ =	shalt  }
0x7c: {  	_ =	shalt  }
0x7d: {  	_ =	shalt  }
0x7e: {  	_ =	shalt  }
0x7f: {  	_ =	shalt  }
0x80: {  	_ =	shalt  }
0x81: {  	_ =	shalt  }
0x82: {  	_ =	shalt  }
0x83: {  	_ =	shalt  }
0x84: {  	_ =	shalt  }
0x85: {  	_ =	shalt  }
0x86: {  	_ =	shalt  }
0x87: {  	_ =	shalt  }
.Lfunc_end0:
.L_simem_size_0:
called_computation_lowered:
.L_overlay_start_0:
0x88: {  	s2 =	sld [smem:$0x3FD9]  }
0x89: {  	s3 =	sld [smem:$0x3FFE];
	_ =	sdelay $0x1  }
0x8a: {  	s1 =	srdreg.scid  }
0x8b: {  	s0 =	sand.u32 $0x1, s1  }
0x8c: {  	s17 =	sshll.u32 s0, $0xA;
	s2 =	sadd.s32 s3, s2  }
0x8d: {  	s2 =	sadd.s32 s2, s17  }
0x8e: {  	[smem:$0x3FC3] =	sst s2  }
0x8f: {  	_ = 	snop  }
0x90: {  	s2 =	sld [smem:$0x3FC9];
	(tm) =	ssettm $0x1  }
0x91: {  	s18 =	sld [smem:$0x3FFB];
	_ =	sdelay $0x3  }
0x92: {  	_ =	strace s18  }
0x93: {  	s3 =	sld [smem:$0x3FFC];
	_ =	sdelay $0x3  }
0x94: {  	_ =	strace s3  }
0x95: {  	s3 =	sld [smem:$0x3FFD];
	_ =	sdelay $0x3  }
0x96: {  	_ =	strace s3  }
0x97: {  	_ =	strace $0x8FFFFFFF  }
0x98: {  	s19 =	sld [smem:$0x3FDB];
	_ =	sdelay $0x1  }
0x99: {  	s4 =	simm.s32 $_scs_section_size  }
0x9a: {  	s5 =	simm.s32 $_size__tile_overlayer_lowered;
	s6 =	simm.s32 $_tile_overlayer_lowered  }
0x9b: {  	s22 =	simm.s32 $0x1BFF;
	s21 =	sshll.u32 s6, $0x1;
	s3 =	sadd.s32 s4, s19  }
0x9c: {  	s7 =	simm.s32 $0x0;
	s20 =	sshll.u32 s5, $0x1;
	s5 =	sadd.s32 s21, s3  }
0x9d: {  	[timem:s7], [sflag:s22] =	dma.local [hbm:s5], s20  }
0x9e: {  	_ =	swait.ge [sflag:s22], s20  }
0x9f: {  	s4 =	ssub.s32 $0x0, s20;
	[sflag:s22] =	ssyncset.done $0x0  }
0xa0: {  	[sflag:s22] =	ssyncadd.s32 s4;
	_ =	sdelay $0x1  }
0xa1: {  	s23 =	simm.s32 $0x1B8B  }
0xa2: {  	_ =	swait.ge [sflag:s23], $0x1  }
0xa3: {  	[sflag:s23] =	ssyncset.done $0x0  }
0xa4: {  	s25 =	simm.s32 $0x1B8E;
	s24 =	sld [smem:$0x3FFE];
	[sflag:s23] =	ssyncadd.s32 $0xFFFFFFFF  }
0xa5: {  	s26 =	simm.s32 $execute0_lowered;
	[smem:$0x3FD2] =	sst s25  }
0xa6: {  	s5 =	sshll.u32 s26, $0x1;
	_ =	strace $0x80000046;
	[dreg:$0x1] =	wrdreg $0xFFFFFFFF  }
0xa7: {  	s28 =	simm.s32 $_size_execute0_lowered;
	s3 =	sadd.s32 s3, s5;
	[dreg:$0x0] =	wrdreg $0x0  }
0xa8: {  	s5 =	sshll.u32 s28, $0x1;
	[dreg:$0x2] =	wrdreg s3  }
0xa9: {  	[dreg:$0x3] =	wrdreg s5  }
0xaa: {  	[dreg:$0x4] =	wrdreg $0xC0  }
0xab: {  	_ =	task [dreg:s7], $0x5FFFF  }
0xac: {  	[dreg:$0x1] =	wrdreg $0xFFFFFFFF  }
0xad: {  	[dreg:$0x0] =	wrdreg $0x60  }
0xae: {  	[dreg:$0x2] =	wrdreg s2  }
0xaf: {  	[dreg:$0x3] =	wrdreg s24  }
0xb0: {  	[dreg:$0x4] =	wrdreg $0x9  }
0xb1: {  	_ =	task.clear_ibuf [dreg:s7], $0x5FFFF;
	_ =	strace $0x90000046  }
0xb2: {  	s29 =	simm.s32 $0x9;
	_ =	strace $0x80000048  }
0xb3: {  	_ =	swait.ge [sflag:s29], $0x1  }
0xb4: {  	[sflag:s29] =	ssyncadd.s32 $0xFFFFFFFF  }
0xb5: {  	_ =	strace $0x90000048  }
0xb6: {  	_ =	sfence  }
0xb7: {  	s30 =	sld [smem:$0x0];
	_ =	sdelay $0x2  }
0xb8: {  	s31 =	sshll.u32 s1, $0xD;
	s1 =	sshrl.u32 s1, $0x2  }
0xb9: {  	s3 =	sand.u32 $0x4000, s31;
	s1 =	sadd.s32 s1, s30  }
0xba: {  	s0 =	sor.u32 s3, s0;
	s1 =	sshll.u32 s1, $0x11  }
0xbb: {  	s0 =	sor.u32 s1, s0  }
0xbc: {  	s0 =	sadd.s32 $0x8F2B, s0  }
0xbd: {  	[sflag:s0] =	ssyncadd.remote.s32 $0x1  }
0xbe: {  	_ =	sfence.sel $0xFFFF  }
0xbf: {  	[dreg:$0x0] =	wrdreg $0xFFFFFFFF;
	(pc) =	sbr.abs _section_cstart, $3  }
0xc0: {  	[dreg:$0x1] =	wrdreg $0xFFFFFFFF  }
0xc1: {  	_ =	task.clear_ibuf [dreg:s7], $0x2FFFF;
	_ =	strace $0x9FFFFFFF  }
0xc2: {  	(tm) =	ssettm $0x7FFFFFFF  }
0xc3: {  	_ =	shalt  }
tec
execute0_lowered:
.L_overlay_start_1:
0x0: {  	(tag) =	ssettag $0x1  }
0x1: {  	s1 =	srdreg.scid  }
0x2: {  	s0 =	stileid.u32;
	s3 =	rddreg [dreg:$0x0]  }
0x3: {  	s6 =	rddreg [dreg:$0x1];
	s18 =	simm.s32 $0x880;
	s19 =	simm.s32 $0x1080  }
0x4: {  	s20 =	simm.s32 $0x1880;
	s22 =	simm.s32 $0x2080;
	s23 =	simm.s32 $0x2880  }
0x5: {  	s7 =	simm.s32 $0x3080;
	s24 =	simm.s32 $0x3880;
	s8 =	simm.s32 $0x4080  }
0x6: {  	s25 =	simm.s32 $0x4880;
	s26 =	simm.s32 $0x5080;
	s1 =	sand.u32 $0x1, s1  }
0x7: {  	s9 =	simm.s32 $0x80;
	s2 =	sshll.u32 s0, $0x7;
	s4 =	sshll.u32 s1, $0x6  }
0x8: {  	s11 =	simm.s32 $0x6080;
	s4 =	sor.u32 s4, s2;
	s2 =	simm.s32 $0x0  }
0x9: {  	s12 =	simm.s32 $0x6880;
	s13 =	simm.s32 $0x7080;
	[smem:$0x7FF] =	sst s2  }
0xa: {  	s14 =	simm.s32 $0x7880;
	_ =	strace $0x80000047;
	[dreg:$0x5] =	wrdreg s18  }
0xb: {  	s15 =	simm.s32 $0x8080;
	s16 =	simm.s32 $0x8880;
	[dreg:$0x6] =	wrdreg s19  }
0xc: {  	s17 =	simm.s32 $0x9080;
	s28 =	simm.s32 $0xE080;
	[dreg:$0x7] =	wrdreg s20  }
0xd: {  	s29 =	simm.s32 $0xE880;
	s30 =	simm.s32 $0xF080;
	[dreg:$0x8] =	wrdreg s22  }
0xe: {  	s31 =	simm.s32 $0xF880;
	s1 =	ssub.s32 $0x2, s1;
	[dreg:$0x9] =	wrdreg s23  }
0xf: {  	s21 =	sshrl.u32 s1, $0x1;
	s5 =	sshrl.u32 s4, $0x3;
	[dreg:$0xa] =	wrdreg s7  }
0x10: {  	s4 =	sshll.u32 s4, $0x7;
	s1 =	ssub.s32 s1, s21;
	[dreg:$0xb] =	wrdreg s24  }
0x11: {  	s21 =	simm.s32 $0xB080;
	s5 =	sadd.s32 s5, s6;
	[dreg:$0xc] =	wrdreg s8  }
0x12: {  	s3 =	sadd.s32 s3, s4;
	s4 =	sadd.s32 $0x8900, s6;
	[dreg:$0xd] =	wrdreg s25  }
0x13: {  	s7 =	smax.u32 s1, $0x1;
	s8 =	simm.s32 $0x2;
	[dreg:$0xe] =	wrdreg s26  }
0x14: {  	s18 =	simm.s32 $0x9880;
	s19 =	simm.s32 $0xA080;
	s20 =	simm.s32 $0xA880  }
0x15: {  	s22 =	simm.s32 $0xB880;
	s23 =	simm.s32 $0xC080;
	s24 =	simm.s32 $0xC880  }
0x16: {  	v2 =	vlaneseq.u32;
	s25 =	simm.s32 $0xD080;
	s26 =	simm.s32 $0xD880;
	s1 =	simm.s32 $0x1  }
0x17: {  	vm0 =	vmmov $0xffff;
	v1 =	vshrl.u32 v2, $0x3;
	s5 =	sadd.s32 $0x8600, s5;
	[dreg:$0x4] =	wrdreg s3;
	s3 =	sadd.s32 $0x8800, s6  }
0x18: {  	v0 =	vand.u32 $0x7, v2;
	v2 =	vor.u32 $0x8, v2;
	v1 =	vmul.u32 $0x8, v1;
	[dreg:$0x3] =	wrdreg s5;
	s5 =	sadd.s32 $0x8A00, s6;
	s6 =	sadd.s32 $0x8B00, s6  }
.LBB2_1:
0x19: {  	s0 =	rddreg [dreg:$0x3]  }
0x1a: {  	[tilespmem:s2], [sflag:$0x2] =	stream.linear.gather [hbm4b:s0+s2], $0x40, $0x38;
	[tilespmem:$0x10080] =	vst v63  }
0x1b: {  	_ =	swait.ge [sflag:s8], $0x40  }
0x1c: {  	[sflag:s8] =	ssyncset.done $0x0  }
0x1d: {  	s10 =	rddreg [dreg:$0x4];
	[sflag:s8] =	ssyncadd.s32 $0xFFFFFFC0  }
0x1e: {  	[tilespmem:s9], [sflag:$0x2] =	stream.linear.gather [hbm4b:s10+s2], $0x10000, $0x38;
	[tilespmem:$0x10080] =	vst v63  }
0x1f: {  	_ =	swait.ge [sflag:s8], $0x10000  }
0x20: {  	[sflag:s8] =	ssyncset.done $0x0  }
0x21: {  	[sflag:s8] =	ssyncadd.s32 $0xFFFF0000  }
0x22: {  	v3 =	vld [tilespmem:$0x0];
	_ =	sdelay $0x4  }
0x23: {  	v4 =	vshll.u32 v3, $0x3  }
0x24: {  	v3 =	vand.u32 $0x7, v3;
	v4 =	vand.u32 $0xFFFFFFC0, v4  }
0x25: {  	v3 =	vor.u32 v3, v4  }
0x26: {  	v4 =	vperm.xlane v3, v0;
	_ =	sdelay $0x1  }
0x27: {  	v4 =	vadd.s32 v1, v4;
	_ =	sdelay $0x4  }
0x28: {  	[hbm4b:s3+s2] =	stream.indirect_vreg.scatter [tilespmem:s9], [sflag:$0x1], $0x80, v4, vm0, $0xb8;
	[tilespmem:$0x10080] =	vst v63  }
0x29: {  	s0 =	rddreg [dreg:$0x5];
	v3 =	vperm.xlane v3, v2  }
0x2a: {  	[hbm4b:s4+s2] =	stream.indirect_vreg.scatter [tilespmem:s0], [sflag:$0x1], $0x80, v4, vm0, $0xb8;
	[tilespmem:$0x10080] =	vst v63  }
0x2b: {  	s10 =	rddreg [dreg:$0x6];
	v3 =	vadd.s32 v1, v3  }
0x2c: {  	[hbm4b:s5+s2] =	stream.indirect_vreg.scatter [tilespmem:s10], [sflag:$0x1], $0x80, v4, vm0, $0xb8;
	[tilespmem:$0x10080] =	vst v63  }
0x2d: {  	s0 =	rddreg [dreg:$0x7]  }
0x2e: {  	[hbm4b:s6+s2] =	stream.indirect_vreg.scatter [tilespmem:s0], [sflag:$0x1], $0x80, v4, vm0, $0xb8;
	[tilespmem:$0x10080] =	vst v63  }
0x2f: {  	s10 =	rddreg [dreg:$0x8]  }
0x30: {  	[hbm4b:s3+s2] =	stream.indirect_vreg.scatter [tilespmem:s10], [sflag:$0x1], $0x80, v3, vm0, $0xb8;
	[tilespmem:$0x10080] =	vst v63  }
0x31: {  	s0 =	rddreg [dreg:$0x9]  }
0x32: {  	[hbm4b:s4+s2] =	stream.indirect_vreg.scatter [tilespmem:s0], [sflag:$0x1], $0x80, v3, vm0, $0xb8;
	[tilespmem:$0x10080] =	vst v63  }
0x33: {  	s10 =	rddreg [dreg:$0xa]  }
0x34: {  	[hbm4b:s5+s2] =	stream.indirect_vreg.scatter [tilespmem:s10], [sflag:$0x1], $0x80, v3, vm0, $0xb8;
	[tilespmem:$0x10080] =	vst v63  }
0x35: {  	s0 =	rddreg [dreg:$0xb]  }
0x36: {  	[hbm4b:s6+s2] =	stream.indirect_vreg.scatter [tilespmem:s0], [sflag:$0x1], $0x80, v3, vm0, $0xb8;
	[tilespmem:$0x10080] =	vst v63  }
0x37: {  	v3 =	vld [tilespmem:$0x10];
	_ =	sdelay $0x4  }
0x38: {  	v61 =	vshll.u32 v3, $0x3  }
0x39: {  	v3 =	vand.u32 $0x7, v3;
	v4 =	vand.u32 $0xFFFFFFC0, v61  }
0x3a: {  	v3 =	vor.u32 v3, v4  }
0x3b: {  	v4 =	vperm.xlane v3, v0;
	_ =	sdelay $0x1  }
0x3c: {  	v4 =	vadd.s32 v1, v4;
	_ =	sdelay $0x3  }
0x3d: {  	s0 =	rddreg [dreg:$0xc]  }
0x3e: {  	[hbm4b:s3+s2] =	stream.indirect_vreg.scatter [tilespmem:s0], [sflag:$0x1], $0x80, v4, vm0, $0xb8;
	[tilespmem:$0x10080] =	vst v63  }
0x3f: {  	s10 =	rddreg [dreg:$0xd];
	v3 =	vperm.xlane v3, v2  }
0x40: {  	[hbm4b:s4+s2] =	stream.indirect_vreg.scatter [tilespmem:s10], [sflag:$0x1], $0x80, v4, vm0, $0xb8;
	[tilespmem:$0x10080] =	vst v63  }
0x41: {  	v3 =	vadd.s32 v1, v3;
	s0 =	rddreg [dreg:$0xe]  }
0x42: {  	[hbm4b:s5+s2] =	stream.indirect_vreg.scatter [tilespmem:s0], [sflag:$0x1], $0x80, v4, vm0, $0xb8;
	[tilespmem:$0x10080] =	vst v63  }
0x43: {  	s10 =	simm.s32 $0x5880  }
0x44: {  	[hbm4b:s6+s2] =	stream.indirect_vreg.scatter [tilespmem:s10], [sflag:$0x1], $0x80, v4, vm0, $0xb8;
	[tilespmem:$0x10080] =	vst v63  }
0x45: {  	_ = 	snop  }
0x46: {  	[hbm4b:s3+s2] =	stream.indirect_vreg.scatter [tilespmem:s11], [sflag:$0x1], $0x80, v3, vm0, $0xb8;
	[tilespmem:$0x10080] =	vst v63  }
0x47: {  	_ = 	snop  }
0x48: {  	[hbm4b:s4+s2] =	stream.indirect_vreg.scatter [tilespmem:s12], [sflag:$0x1], $0x80, v3, vm0, $0xb8;
	[tilespmem:$0x10080] =	vst v63  }
0x49: {  	_ = 	snop  }
0x4a: {  	[hbm4b:s5+s2] =	stream.indirect_vreg.scatter [tilespmem:s13], [sflag:$0x1], $0x80, v3, vm0, $0xb8;
	[tilespmem:$0x10080] =	vst v63  }
0x4b: {  	_ = 	snop  }
0x4c: {  	[hbm4b:s6+s2] =	stream.indirect_vreg.scatter [tilespmem:s14], [sflag:$0x1], $0x80, v3, vm0, $0xb8;
	[tilespmem:$0x10080] =	vst v63  }
0x4d: {  	v3 =	vld [tilespmem:$0x20];
	_ =	sdelay $0x4  }
0x4e: {  	v62 =	vshll.u32 v3, $0x3  }
0x4f: {  	v3 =	vand.u32 $0x7, v3;
	v4 =	vand.u32 $0xFFFFFFC0, v62  }
0x50: {  	v3 =	vor.u32 v3, v4  }
0x51: {  	v4 =	vperm.xlane v3, v0;
	_ =	sdelay $0x1  }
0x52: {  	v4 =	vadd.s32 v1, v4;
	_ =	sdelay $0x4  }
0x53: {  	[hbm4b:s3+s2] =	stream.indirect_vreg.scatter [tilespmem:s15], [sflag:$0x1], $0x80, v4, vm0, $0xb8;
	[tilespmem:$0x10080] =	vst v63  }
0x54: {  	v3 =	vperm.xlane v3, v2  }
0x55: {  	[hbm4b:s4+s2] =	stream.indirect_vreg.scatter [tilespmem:s16], [sflag:$0x1], $0x80, v4, vm0, $0xb8;
	[tilespmem:$0x10080] =	vst v63  }
0x56: {  	v3 =	vadd.s32 v1, v3  }
0x57: {  	[hbm4b:s5+s2] =	stream.indirect_vreg.scatter [tilespmem:s17], [sflag:$0x1], $0x80, v4, vm0, $0xb8;
	[tilespmem:$0x10080] =	vst v63  }
0x58: {  	_ = 	snop  }
0x59: {  	[hbm4b:s6+s2] =	stream.indirect_vreg.scatter [tilespmem:s18], [sflag:$0x1], $0x80, v4, vm0, $0xb8;
	[tilespmem:$0x10080] =	vst v63  }
0x5a: {  	_ = 	snop  }
0x5b: {  	[hbm4b:s3+s2] =	stream.indirect_vreg.scatter [tilespmem:s19], [sflag:$0x1], $0x80, v3, vm0, $0xb8;
	[tilespmem:$0x10080] =	vst v63  }
0x5c: {  	_ = 	snop  }
0x5d: {  	[hbm4b:s4+s2] =	stream.indirect_vreg.scatter [tilespmem:s20], [sflag:$0x1], $0x80, v3, vm0, $0xb8;
	[tilespmem:$0x10080] =	vst v63  }
0x5e: {  	_ = 	snop  }
0x5f: {  	[hbm4b:s5+s2] =	stream.indirect_vreg.scatter [tilespmem:s21], [sflag:$0x1], $0x80, v3, vm0, $0xb8;
	[tilespmem:$0x10080] =	vst v63  }
0x60: {  	_ = 	snop  }
0x61: {  	[hbm4b:s6+s2] =	stream.indirect_vreg.scatter [tilespmem:s22], [sflag:$0x1], $0x80, v3, vm0, $0xb8;
	[tilespmem:$0x10080] =	vst v63  }
0x62: {  	v3 =	vld [tilespmem:$0x30];
	_ =	sdelay $0x4  }
0x63: {  	v63 =	vshll.u32 v3, $0x3  }
0x64: {  	v3 =	vand.u32 $0x7, v3;
	v4 =	vand.u32 $0xFFFFFFC0, v63  }
0x65: {  	v3 =	vor.u32 v3, v4  }
0x66: {  	v4 =	vperm.xlane v3, v0;
	_ =	sdelay $0x1  }
0x67: {  	v4 =	vadd.s32 v1, v4;
	_ =	sdelay $0x4  }
0x68: {  	[hbm4b:s3+s2] =	stream.indirect_vreg.scatter [tilespmem:s23], [sflag:$0x1], $0x80, v4, vm0, $0xb8;
	[tilespmem:$0x10080] =	vst v63  }
0x69: {  	v3 =	vperm.xlane v3, v2  }
0x6a: {  	[hbm4b:s4+s2] =	stream.indirect_vreg.scatter [tilespmem:s24], [sflag:$0x1], $0x80, v4, vm0, $0xb8;
	[tilespmem:$0x10080] =	vst v63  }
0x6b: {  	v3 =	vadd.s32 v1, v3  }
0x6c: {  	[hbm4b:s5+s2] =	stream.indirect_vreg.scatter [tilespmem:s25], [sflag:$0x1], $0x80, v4, vm0, $0xb8;
	[tilespmem:$0x10080] =	vst v63  }
0x6d: {  	_ = 	snop  }
0x6e: {  	[hbm4b:s6+s2] =	stream.indirect_vreg.scatter [tilespmem:s26], [sflag:$0x1], $0x80, v4, vm0, $0xb8;
	[tilespmem:$0x10080] =	vst v63  }
0x6f: {  	_ = 	snop  }
0x70: {  	[hbm4b:s3+s2] =	stream.indirect_vreg.scatter [tilespmem:s28], [sflag:$0x1], $0x80, v3, vm0, $0xb8;
	[tilespmem:$0x10080] =	vst v63  }
0x71: {  	_ = 	snop  }
0x72: {  	[hbm4b:s4+s2] =	stream.indirect_vreg.scatter [tilespmem:s29], [sflag:$0x1], $0x80, v3, vm0, $0xb8;
	[tilespmem:$0x10080] =	vst v63  }
0x73: {  	p0 =	sne.s32 s7, $0x1  }
0x74: {  	[hbm4b:s5+s2] =	stream.indirect_vreg.scatter [tilespmem:s30], [sflag:$0x1], $0x80, v3, vm0, $0xb8;
	[tilespmem:$0x10080] =	vst v63  }
.Ltmp0:
0x75: {  	_ = 	snop;
	(pc) =	sbr.rel @p0 .LBB2_1-.Ltmp0, $4  }
0x76: {  	[hbm4b:s6+s2] =	stream.indirect_vreg.scatter [tilespmem:s31], [sflag:$0x1], $0x80, v3, vm0, $0xb8;
	[tilespmem:$0x10080] =	vst v63  }
0x77: {  	_ =	swait.ge [sflag:s1], $0x10000  }
0x78: {  	[sflag:s1] =	ssyncset.done $0x0  }
0x79: {  	s7 =	sadd.s32 $0xFFFFFFFF, s7;
	[sflag:s1] =	ssyncadd.s32 $0xFFFF0000  }
0x7a: {  	_ =	sfence.sel $0x180000  }
0x7b: {  	[bflag:$0x0] =	sbarrier.arrive $0xFFFF  }
0x7c: {  	_ =	strace $0x90000047  }
0x7d: {  	s0 =	stileid.u32;
	[bflag:$0x2] =	sbarrier.arrive $0xFFFF  }
0x7e: {  	p0 =	sne.s32 s0, $0x0;
	s0 =	rddreg [dreg:$0x2]  }
0x7f: {  	s0 =	sadd.s32 @!p0 $0x100000, s0  }
0x80: {  	[sflag:s0] =	ssyncadd.tile.s32 @!p0 $0x1;
	_ =	shalt  }
.Lfunc_end2:
_tile_overlayer_lowered:
.L_overlay_start_2:
0x81: {  	(tag) =	ssettag $0x2  }
0x82: {  	s0 =	rddreg [dreg:$0x0];
	s2 =	stileid.u32  }
0x83: {  	s1 =	rddreg [dreg:$0x1];
	p0 =	sne.s32 s2, $0x0  }
0x84: {  	s3 =	rddreg [dreg:$0x2];
	[bflag:$0x3] =	sbarrier.arrive $0xFFFF;
	s2 =	simm.s32 @!p0 $0x1C02  }
0x85: {  	[timem:s3], [sflag:s2] =	dma.local @!p0 [hbm:s0], s1  }
0x86: {  	s0 =	simm.s32 @!p0 $0x2  }
0x87: {  	_ =	swait.ge @!p0 [sflag:s0], s1  }
0x88: {  	s1 =	ssub.s32 @!p0 $0x0, s1;
	[sflag:s0] =	ssyncset.done @!p0 $0x0  }
0x89: {  	[sflag:s0] =	ssyncadd.s32 @!p0 s1  }
0x8a: {  	[bflag:$0x3] =	sbarrier.arrive $0xFFFF  }
0x8b: {  	_ =	shalt  }

// kernel: kernel.9.cloned.1.call-start
scs
__scs_entry_jumppad:
0x0: {  	(pc) =	sbr.rel $0x88, $3  }
0x1: {  	(tag) =	ssettag $0x0;
	lr =	simm.s32 $0x1  }
0x2: {  	[smem:$0x3F9C] =	sst lr;
	_ =	strace $0xD0000000  }
0x3: {  	_ = 	snop  }
0x4: {  	_ = 	snop  }
0x5: {  	_ = 	snop  }
0x6: {  	_ = 	snop  }
0x7: {  	_ = 	snop  }
__scs_overlays_trampoline_lowered:
0x8: {  	[smem:$0x3FAB] =	sst s0  }
0x9: {  	[smem:$0x3FAC] =	sst s1  }
0xa: {  	[smem:$0x3FAD] =	sst s2  }
0xb: {  	[smem:$0x3FAE] =	sst s3  }
0xc: {  	[smem:$0x3FAF] =	sst s4  }
0xd: {  	[smem:$0x3FB0] =	sst s5  }
0xe: {  	[smem:$0x3FB1] =	sst s6  }
0xf: {  	[smem:$0x3FB2] =	sst s7  }
0x10: {  	[smem:$0x3FB3] =	sst s8  }
0x11: {  	[smem:$0x3FB4] =	sst s9;
	s0 =	simm.s32 @!p0 $0x0  }
0x12: {  	s1 =	sld [smem:$0x3F9A];
	s0 =	simm.s32 @p0 $0x1  }
0x13: {  	[smem:$0x3FB5] =	sst s0;
	s0 =	simm.s32 @!p1 $0x0  }
0x14: {  	s2 =	sld [smem:$0x3F99];
	s0 =	simm.s32 @p1 $0x1  }
0x15: {  	[smem:$0x3FB6] =	sst s0;
	s0 =	simm.s32 @!p2 $0x0  }
0x16: {  	s3 =	sld [smem:$0x3FDB];
	s0 =	simm.s32 @p2 $0x1  }
0x17: {  	s4 =	simm.s32 $0x1BF5;
	[smem:$0x3FB8] =	sst s0  }
0x18: {  	s0 =	sld [smem:$0x3F9B];
	_ =	swait.ge [sflag:s4], $0x0  }
0x19: {  	s7 =	sld [smem:$0x3F9C]  }
0x1a: {  	s8 =	sadd.s32 $0xFFFFE003, lr  }
0x1b: {  	s9 =	sadd.s32 $0xFFFFFEF7, lr;
	s5 =	simm.s32 $0xFFFFFFFF;
	p2 =	slt.u32 s8, $0xFFFFF086  }
0x1c: {  	p1 =	slt.u32 s9, $0xF7A;
	s5 =	simm.s32 @!p2 $0x0  }
0x1d: {  	s5 =	simm.s32 @p1 $0x1;
	p0 =	seq.s32 s7, s2  }
0x1e: {  	s7 =	smul.u32 @!p0 $0xF7A, s2;
	p2 =	seq.s32 @!p0 s5, $0x0  }
0x1f: {  	s9 =	smul.u32 $0xF7A, s1;
	s8 =	simm.s32 @!p0 $0x1BF5;
	p2 =	por !p2, p0  }
0x20: {  	[sflag:s8] =	ssyncset.s32 @!p0 $0xFFFFF086;
	s6 =	sadd.s32 @!p0 s3, s7;
	s7 =	simm.s32 @!p0 $0x108  }
0x21: {  	s3 =	sadd.s32 s3, s9;
	s6 =	sadd.s32 @!p0 $0x88, s6;
	s7 =	simm.s32 @p2 $0x1082  }
0x22: {  	[simem:s7], [sflag:s8] =	dma.local @!p0 [hbm:s6], $0xF7A  }
0x23: {  	s9 =	sor.u32 $0xD0000000, s2;
	s6 =	simm.s32 $0x108;
	_ =	swait.ge @!p0 [sflag:s8], $0x0  }
0x24: {  	s3 =	sadd.s32 $0x88, s3;
	s6 =	simm.s32 @!p1 $0x1082;
	[sflag:s4] =	ssyncset.s32 $0xFFFFF086  }
0x25: {  	[simem:s6], [sflag:s4] =	dma.local [hbm:s3], $0xF7A  }
0x26: {  	[smem:$0x3F9C] =	sst s1;
	(tag) =	ssettag s2;
	_ =	strace s9  }
0x27: {  	s1 =	sld [smem:$0x3FAC]  }
0x28: {  	s2 =	sld [smem:$0x3FAD]  }
0x29: {  	s4 =	sld [smem:$0x3FAF]  }
0x2a: {  	p0 =	seq.s32 s5, $0x0;
	s5 =	sld [smem:$0x3FB0]  }
0x2b: {  	s6 =	sld [smem:$0x3FB1]  }
0x2c: {  	s7 =	sld [smem:$0x3FB2]  }
0x2d: {  	s3 =	simm.s32 $0x108;
	s8 =	sld [smem:$0x3FB3]  }
0x2e: {  	s3 =	simm.s32 @!p0 $0x1082;
	s9 =	sld [smem:$0x3FB4]  }
0x2f: {  	lr =	sadd.s32 s0, s3;
	s0 =	sld [smem:$0x3FAB]  }
0x30: {  	s3 =	sld [smem:$0x3FAE]  }
0x31: {  	[smem:$0x3FB7] =	sst s10  }
0x32: {  	s10 =	sld [smem:$0x3FB5];
	_ =	sdelay $0x3  }
0x33: {  	p0 =	seq.s32 s10, $0x1;
	s10 =	sld [smem:$0x3FB7];
	_ =	sdelay $0x3  }
0x34: {  	[smem:$0x3FB7] =	sst s10  }
0x35: {  	s10 =	sld [smem:$0x3FB6];
	_ =	sdelay $0x3  }
0x36: {  	p1 =	seq.s32 s10, $0x1;
	s10 =	sld [smem:$0x3FB7];
	_ =	sdelay $0x3  }
0x37: {  	[smem:$0x3FB7] =	sst s10  }
0x38: {  	s10 =	sld [smem:$0x3FB8]  }
0x39: {  	_ = 	snop;
	(pc) =	sbr.ind lr, $3  }
0x3a: {  	_ = 	snop  }
0x3b: {  	_ = 	snop  }
0x3c: {  	p2 =	seq.s32 s10, $0x1;
	s10 =	sld [smem:$0x3FB7]  }
0x3d: {  	_ =	shalt  }
0x3e: {  	_ =	shalt  }
0x3f: {  	_ =	shalt  }
0x40: {  	_ =	shalt  }
0x41: {  	_ =	shalt  }
0x42: {  	_ =	shalt  }
0x43: {  	_ =	shalt  }
0x44: {  	_ =	shalt  }
0x45: {  	_ =	shalt  }
0x46: {  	_ =	shalt  }
0x47: {  	_ =	shalt  }
0x48: {  	_ =	shalt  }
0x49: {  	_ =	shalt  }
0x4a: {  	_ =	shalt  }
0x4b: {  	_ =	shalt  }
0x4c: {  	_ =	shalt  }
0x4d: {  	_ =	shalt  }
0x4e: {  	_ =	shalt  }
0x4f: {  	_ =	shalt  }
0x50: {  	_ =	shalt  }
0x51: {  	_ =	shalt  }
0x52: {  	_ =	shalt  }
0x53: {  	_ =	shalt  }
0x54: {  	_ =	shalt  }
0x55: {  	_ =	shalt  }
0x56: {  	_ =	shalt  }
0x57: {  	_ =	shalt  }
0x58: {  	_ =	shalt  }
0x59: {  	_ =	shalt  }
0x5a: {  	_ =	shalt  }
0x5b: {  	_ =	shalt  }
0x5c: {  	_ =	shalt  }
0x5d: {  	_ =	shalt  }
0x5e: {  	_ =	shalt  }
0x5f: {  	_ =	shalt  }
0x60: {  	_ =	shalt  }
0x61: {  	_ =	shalt  }
0x62: {  	_ =	shalt  }
0x63: {  	_ =	shalt  }
0x64: {  	_ =	shalt  }
0x65: {  	_ =	shalt  }
0x66: {  	_ =	shalt  }
0x67: {  	_ =	shalt  }
0x68: {  	_ =	shalt  }
0x69: {  	_ =	shalt  }
0x6a: {  	_ =	shalt  }
0x6b: {  	_ =	shalt  }
0x6c: {  	_ =	shalt  }
0x6d: {  	_ =	shalt  }
0x6e: {  	_ =	shalt  }
0x6f: {  	_ =	shalt  }
0x70: {  	_ =	shalt  }
0x71: {  	_ =	shalt  }
0x72: {  	_ =	shalt  }
0x73: {  	_ =	shalt  }
0x74: {  	_ =	shalt  }
0x75: {  	_ =	shalt  }
0x76: {  	_ =	shalt  }
0x77: {  	_ =	shalt  }
0x78: {  	_ =	shalt  }
0x79: {  	_ =	shalt  }
0x7a: {  	_ =	shalt  }
0x7b: {  	_ =	shalt  }
0x7c: {  	_ =	shalt  }
0x7d: {  	_ =	shalt  }
0x7e: {  	_ =	shalt  }
0x7f: {  	_ =	shalt  }
0x80: {  	_ =	shalt  }
0x81: {  	_ =	shalt  }
0x82: {  	_ =	shalt  }
0x83: {  	_ =	shalt  }
0x84: {  	_ =	shalt  }
0x85: {  	_ =	shalt  }
0x86: {  	_ =	shalt  }
0x87: {  	_ =	shalt  }
.Lfunc_end0:
.L_simem_size_0:
called_computation.1_lowered:
.L_overlay_start_0:
0x88: {  	s2 =	sld [smem:$0x3FD9]  }
0x89: {  	s3 =	sld [smem:$0x3FFE];
	_ =	sdelay $0x1  }
0x8a: {  	s1 =	srdreg.scid  }
0x8b: {  	s0 =	sand.u32 $0x1, s1  }
0x8c: {  	s14 =	sshll.u32 s0, $0xA;
	s2 =	sadd.s32 s3, s2  }
0x8d: {  	s2 =	sadd.s32 s2, s14  }
0x8e: {  	[smem:$0x3FC3] =	sst s2  }
0x8f: {  	_ = 	snop  }
0x90: {  	s2 =	sld [smem:$0x3FD0];
	_ =	sdelay $0x2  }
0x91: {  	s15 =	simm.s32 $0xA;
	s4 =	simm.s32 $0x10  }
0x92: {  	[smem:s4], [sflag:s15] =	dma.local [hbm:s2], $0x1  }
0x93: {  	_ =	swait.eq [sflag:s15], $0x1  }
0x94: {  	[sflag:s15] =	ssyncset.done $0x0  }
0x95: {  	[sflag:s15] =	ssyncadd.s32 $0xFFFFFFFF  }
0x96: {  	s16 =	sld [smem:$0x10];
	(tm) =	ssettm $0x1  }
0x97: {  	s17 =	sld [smem:$0x3FFB];
	_ =	sdelay $0x3  }
0x98: {  	_ =	strace s17  }
0x99: {  	s3 =	sld [smem:$0x3FFC];
	_ =	sdelay $0x3  }
0x9a: {  	_ =	strace s3  }
0x9b: {  	s3 =	sld [smem:$0x3FFD];
	_ =	sdelay $0x3  }
0x9c: {  	_ =	strace s3  }
0x9d: {  	_ =	strace $0x8FFFFFFF  }
0x9e: {  	s18 =	sld [smem:$0x3FDB];
	_ =	sdelay $0x1  }
0x9f: {  	s19 =	simm.s32 $_scs_section_size  }
0xa0: {  	s5 =	simm.s32 $_size__tile_overlayer_lowered;
	s6 =	simm.s32 $_tile_overlayer_lowered  }
0xa1: {  	s22 =	simm.s32 $0x1BFF;
	s21 =	sshll.u32 s6, $0x1;
	s3 =	sadd.s32 s19, s18  }
0xa2: {  	s7 =	simm.s32 $0x0;
	s20 =	sshll.u32 s5, $0x1;
	s5 =	sadd.s32 s21, s3  }
0xa3: {  	[timem:s7], [sflag:s22] =	dma.local [hbm:s5], s20  }
0xa4: {  	_ =	swait.ge [sflag:s22], s20  }
0xa5: {  	s4 =	ssub.s32 $0x0, s20;
	[sflag:s22] =	ssyncset.done $0x0  }
0xa6: {  	[sflag:s22] =	ssyncadd.s32 s4;
	_ =	sdelay $0x1  }
0xa7: {  	s23 =	simm.s32 $0x1B8B  }
0xa8: {  	_ =	swait.ge [sflag:s23], $0x1  }
0xa9: {  	[sflag:s23] =	ssyncset.done $0x0  }
0xaa: {  	s25 =	simm.s32 $0x1B8E;
	s24 =	sld [smem:$0x3FFE];
	[sflag:s23] =	ssyncadd.s32 $0xFFFFFFFF  }
0xab: {  	s26 =	simm.s32 $execute0_lowered;
	[smem:$0x3FD2] =	sst s25  }
0xac: {  	s5 =	sshll.u32 s26, $0x1;
	_ =	strace $0x80000049;
	[dreg:$0x1] =	wrdreg $0xFFFFFFFF  }
0xad: {  	s28 =	simm.s32 $_size_execute0_lowered;
	s3 =	sadd.s32 s3, s5;
	[dreg:$0x0] =	wrdreg $0x0  }
0xae: {  	s5 =	sshll.u32 s28, $0x1;
	[dreg:$0x2] =	wrdreg s3  }
0xaf: {  	[dreg:$0x3] =	wrdreg s5  }
0xb0: {  	[dreg:$0x4] =	wrdreg $0xC0  }
0xb1: {  	_ =	task [dreg:s7], $0x5FFFF  }
0xb2: {  	[dreg:$0x1] =	wrdreg $0xFFFFFFFF  }
0xb3: {  	[dreg:$0x0] =	wrdreg $0x60  }
0xb4: {  	[dreg:$0x2] =	wrdreg s24  }
0xb5: {  	[dreg:$0x3] =	wrdreg s16  }
0xb6: {  	[dreg:$0x4] =	wrdreg $0x9  }
0xb7: {  	_ =	task.clear_ibuf [dreg:s7], $0x5FFFF;
	_ =	strace $0x90000049  }
0xb8: {  	s29 =	simm.s32 $0x9;
	_ =	strace $0x8000004B  }
0xb9: {  	_ =	swait.ge [sflag:s29], $0x1  }
0xba: {  	[sflag:s29] =	ssyncadd.s32 $0xFFFFFFFF  }
0xbb: {  	_ =	strace $0x9000004B  }
0xbc: {  	_ =	sfence  }
0xbd: {  	s30 =	sld [smem:$0x0];
	_ =	sdelay $0x2  }
0xbe: {  	s31 =	sshll.u32 s1, $0xD;
	s1 =	sshrl.u32 s1, $0x2  }
0xbf: {  	s3 =	sand.u32 $0x4000, s31;
	s1 =	sadd.s32 s1, s30  }
0xc0: {  	s0 =	sor.u32 s3, s0;
	s1 =	sshll.u32 s1, $0x11  }
0xc1: {  	s0 =	sor.u32 s1, s0  }
0xc2: {  	s0 =	sadd.s32 $0x8F2B, s0  }
0xc3: {  	[sflag:s0] =	ssyncadd.remote.s32 $0x1  }
0xc4: {  	_ =	sfence.sel $0xFFFF  }
0xc5: {  	[dreg:$0x0] =	wrdreg $0xFFFFFFFF;
	(pc) =	sbr.abs _section_cstart, $3  }
0xc6: {  	[dreg:$0x1] =	wrdreg $0xFFFFFFFF  }
0xc7: {  	_ =	task.clear_ibuf [dreg:s7], $0x2FFFF;
	_ =	strace $0x9FFFFFFF  }
0xc8: {  	(tm) =	ssettm $0x7FFFFFFF  }
0xc9: {  	_ =	shalt  }
tec
execute0_lowered:
.L_overlay_start_1:
0x0: {  	(tag) =	ssettag $0x1  }
0x1: {  	s1 =	srdreg.scid  }
0x2: {  	s0 =	stileid.u32;
	s6 =	rddreg [dreg:$0x0]  }
0x3: {  	s4 =	rddreg [dreg:$0x1];
	s18 =	simm.s32 $0x880;
	s19 =	simm.s32 $0x1080  }
0x4: {  	s20 =	simm.s32 $0x1880;
	s22 =	simm.s32 $0x2080;
	s23 =	simm.s32 $0x2880  }
0x5: {  	s7 =	simm.s32 $0x3080;
	s24 =	simm.s32 $0x3880;
	s8 =	simm.s32 $0x4080  }
0x6: {  	s25 =	simm.s32 $0x4880;
	s26 =	simm.s32 $0x5080;
	s1 =	sand.u32 $0x1, s1  }
0x7: {  	s9 =	simm.s32 $0x80;
	s2 =	sshll.u32 s0, $0x7;
	s3 =	sshll.u32 s1, $0x6  }
0x8: {  	s11 =	simm.s32 $0x6080;
	s3 =	sor.u32 s3, s2;
	s2 =	simm.s32 $0x0  }
0x9: {  	s12 =	simm.s32 $0x6880;
	s13 =	simm.s32 $0x7080;
	[smem:$0x7FF] =	sst s2  }
0xa: {  	s14 =	simm.s32 $0x7880;
	_ =	strace $0x8000004A;
	[dreg:$0x5] =	wrdreg s18  }
0xb: {  	s15 =	simm.s32 $0x8080;
	s16 =	simm.s32 $0x8880;
	[dreg:$0x6] =	wrdreg s19  }
0xc: {  	s17 =	simm.s32 $0x9080;
	s28 =	simm.s32 $0xE080;
	[dreg:$0x7] =	wrdreg s20  }
0xd: {  	s29 =	simm.s32 $0xE880;
	s30 =	simm.s32 $0xF080;
	[dreg:$0x8] =	wrdreg s22  }
0xe: {  	s31 =	simm.s32 $0xF880;
	s1 =	ssub.s32 $0x2, s1;
	[dreg:$0x9] =	wrdreg s23  }
0xf: {  	s21 =	sshrl.u32 s1, $0x1;
	s5 =	sshrl.u32 s3, $0x3;
	[dreg:$0xa] =	wrdreg s7  }
0x10: {  	s3 =	sshll.u32 s3, $0x7;
	s1 =	ssub.s32 s1, s21;
	[dreg:$0xb] =	wrdreg s24  }
0x11: {  	s21 =	simm.s32 $0xB080;
	s5 =	sadd.s32 s5, s6;
	[dreg:$0xc] =	wrdreg s8  }
0x12: {  	s3 =	sadd.s32 s4, s3;
	s4 =	sadd.s32 $0xC8900, s6;
	[dreg:$0xd] =	wrdreg s25  }
0x13: {  	s7 =	smax.u32 s1, $0x1;
	s8 =	simm.s32 $0x2;
	[dreg:$0xe] =	wrdreg s26  }
0x14: {  	s18 =	simm.s32 $0x9880;
	s19 =	simm.s32 $0xA080;
	s20 =	simm.s32 $0xA880  }
0x15: {  	s22 =	simm.s32 $0xB880;
	s23 =	simm.s32 $0xC080;
	s24 =	simm.s32 $0xC880  }
0x16: {  	v2 =	vlaneseq.u32;
	s25 =	simm.s32 $0xD080;
	s26 =	simm.s32 $0xD880;
	s1 =	simm.s32 $0x1  }
0x17: {  	vm0 =	vmmov $0xffff;
	v1 =	vshrl.u32 v2, $0x3;
	s5 =	sadd.s32 $0x8600, s5;
	[dreg:$0x4] =	wrdreg s3;
	s3 =	sadd.s32 $0xC8800, s6  }
0x18: {  	v0 =	vand.u32 $0x7, v2;
	v2 =	vor.u32 $0x8, v2;
	v1 =	vmul.u32 $0x8, v1;
	[dreg:$0x3] =	wrdreg s5;
	s5 =	sadd.s32 $0xC8A00, s6;
	s6 =	sadd.s32 $0xC8B00, s6  }
.LBB2_1:
0x19: {  	s0 =	rddreg [dreg:$0x3]  }
0x1a: {  	[tilespmem:s2], [sflag:$0x2] =	stream.linear.gather [hbm4b:s0+s2], $0x40, $0x38;
	[tilespmem:$0x10080] =	vst v63  }
0x1b: {  	_ =	swait.ge [sflag:s8], $0x40  }
0x1c: {  	[sflag:s8] =	ssyncset.done $0x0  }
0x1d: {  	[sflag:s8] =	ssyncadd.s32 $0xFFFFFFC0  }
0x1e: {  	v3 =	vld [tilespmem:$0x0];
	_ =	sdelay $0x4  }
0x1f: {  	v4 =	vshll.u32 v3, $0x3  }
0x20: {  	v3 =	vand.u32 $0x7, v3;
	v4 =	vand.u32 $0xFFFFFFC0, v4  }
0x21: {  	v3 =	vor.u32 v3, v4  }
0x22: {  	v4 =	vperm.xlane v3, v0;
	_ =	sdelay $0x1  }
0x23: {  	v4 =	vadd.s32 v1, v4;
	_ =	sdelay $0x4  }
0x24: {  	[tilespmem:s9], [sflag:$0x1] =	stream.indirect_vreg.gather [hbm4b:s3+s2], $0x80, v4, vm0, $0xb8;
	[tilespmem:$0x10080] =	vst v63  }
0x25: {  	s0 =	rddreg [dreg:$0x5];
	v3 =	vperm.xlane v3, v2  }
0x26: {  	[tilespmem:s0], [sflag:$0x1] =	stream.indirect_vreg.gather [hbm4b:s4+s2], $0x80, v4, vm0, $0xb8;
	[tilespmem:$0x10080] =	vst v63  }
0x27: {  	s10 =	rddreg [dreg:$0x6];
	v3 =	vadd.s32 v1, v3  }
0x28: {  	[tilespmem:s10], [sflag:$0x1] =	stream.indirect_vreg.gather [hbm4b:s5+s2], $0x80, v4, vm0, $0xb8;
	[tilespmem:$0x10080] =	vst v63  }
0x29: {  	s0 =	rddreg [dreg:$0x7]  }
0x2a: {  	[tilespmem:s0], [sflag:$0x1] =	stream.indirect_vreg.gather [hbm4b:s6+s2], $0x80, v4, vm0, $0xb8;
	[tilespmem:$0x10080] =	vst v63  }
0x2b: {  	s10 =	rddreg [dreg:$0x8]  }
0x2c: {  	[tilespmem:s10], [sflag:$0x1] =	stream.indirect_vreg.gather [hbm4b:s3+s2], $0x80, v3, vm0, $0xb8;
	[tilespmem:$0x10080] =	vst v63  }
0x2d: {  	s0 =	rddreg [dreg:$0x9]  }
0x2e: {  	[tilespmem:s0], [sflag:$0x1] =	stream.indirect_vreg.gather [hbm4b:s4+s2], $0x80, v3, vm0, $0xb8;
	[tilespmem:$0x10080] =	vst v63  }
0x2f: {  	s10 =	rddreg [dreg:$0xa]  }
0x30: {  	[tilespmem:s10], [sflag:$0x1] =	stream.indirect_vreg.gather [hbm4b:s5+s2], $0x80, v3, vm0, $0xb8;
	[tilespmem:$0x10080] =	vst v63  }
0x31: {  	s0 =	rddreg [dreg:$0xb]  }
0x32: {  	[tilespmem:s0], [sflag:$0x1] =	stream.indirect_vreg.gather [hbm4b:s6+s2], $0x80, v3, vm0, $0xb8;
	[tilespmem:$0x10080] =	vst v63  }
0x33: {  	v3 =	vld [tilespmem:$0x10];
	_ =	sdelay $0x4  }
0x34: {  	v61 =	vshll.u32 v3, $0x3  }
0x35: {  	v3 =	vand.u32 $0x7, v3;
	v4 =	vand.u32 $0xFFFFFFC0, v61  }
0x36: {  	v3 =	vor.u32 v3, v4  }
0x37: {  	v4 =	vperm.xlane v3, v0;
	_ =	sdelay $0x1  }
0x38: {  	v4 =	vadd.s32 v1, v4;
	_ =	sdelay $0x3  }
0x39: {  	s0 =	rddreg [dreg:$0xc]  }
0x3a: {  	[tilespmem:s0], [sflag:$0x1] =	stream.indirect_vreg.gather [hbm4b:s3+s2], $0x80, v4, vm0, $0xb8;
	[tilespmem:$0x10080] =	vst v63  }
0x3b: {  	s10 =	rddreg [dreg:$0xd];
	v3 =	vperm.xlane v3, v2  }
0x3c: {  	[tilespmem:s10], [sflag:$0x1] =	stream.indirect_vreg.gather [hbm4b:s4+s2], $0x80, v4, vm0, $0xb8;
	[tilespmem:$0x10080] =	vst v63  }
0x3d: {  	v3 =	vadd.s32 v1, v3;
	s0 =	rddreg [dreg:$0xe]  }
0x3e: {  	[tilespmem:s0], [sflag:$0x1] =	stream.indirect_vreg.gather [hbm4b:s5+s2], $0x80, v4, vm0, $0xb8;
	[tilespmem:$0x10080] =	vst v63  }
0x3f: {  	s10 =	simm.s32 $0x5880  }
0x40: {  	[tilespmem:s10], [sflag:$0x1] =	stream.indirect_vreg.gather [hbm4b:s6+s2], $0x80, v4, vm0, $0xb8;
	[tilespmem:$0x10080] =	vst v63  }
0x41: {  	_ = 	snop  }
0x42: {  	[tilespmem:s11], [sflag:$0x1] =	stream.indirect_vreg.gather [hbm4b:s3+s2], $0x80, v3, vm0, $0xb8;
	[tilespmem:$0x10080] =	vst v63  }
0x43: {  	_ = 	snop  }
0x44: {  	[tilespmem:s12], [sflag:$0x1] =	stream.indirect_vreg.gather [hbm4b:s4+s2], $0x80, v3, vm0, $0xb8;
	[tilespmem:$0x10080] =	vst v63  }
0x45: {  	_ = 	snop  }
0x46: {  	[tilespmem:s13], [sflag:$0x1] =	stream.indirect_vreg.gather [hbm4b:s5+s2], $0x80, v3, vm0, $0xb8;
	[tilespmem:$0x10080] =	vst v63  }
0x47: {  	_ = 	snop  }
0x48: {  	[tilespmem:s14], [sflag:$0x1] =	stream.indirect_vreg.gather [hbm4b:s6+s2], $0x80, v3, vm0, $0xb8;
	[tilespmem:$0x10080] =	vst v63  }
0x49: {  	v3 =	vld [tilespmem:$0x20];
	_ =	sdelay $0x4  }
0x4a: {  	v62 =	vshll.u32 v3, $0x3  }
0x4b: {  	v3 =	vand.u32 $0x7, v3;
	v4 =	vand.u32 $0xFFFFFFC0, v62  }
0x4c: {  	v3 =	vor.u32 v3, v4  }
0x4d: {  	v4 =	vperm.xlane v3, v0;
	_ =	sdelay $0x1  }
0x4e: {  	v4 =	vadd.s32 v1, v4;
	_ =	sdelay $0x4  }
0x4f: {  	[tilespmem:s15], [sflag:$0x1] =	stream.indirect_vreg.gather [hbm4b:s3+s2], $0x80, v4, vm0, $0xb8;
	[tilespmem:$0x10080] =	vst v63  }
0x50: {  	v3 =	vperm.xlane v3, v2  }
0x51: {  	[tilespmem:s16], [sflag:$0x1] =	stream.indirect_vreg.gather [hbm4b:s4+s2], $0x80, v4, vm0, $0xb8;
	[tilespmem:$0x10080] =	vst v63  }
0x52: {  	v3 =	vadd.s32 v1, v3  }
0x53: {  	[tilespmem:s17], [sflag:$0x1] =	stream.indirect_vreg.gather [hbm4b:s5+s2], $0x80, v4, vm0, $0xb8;
	[tilespmem:$0x10080] =	vst v63  }
0x54: {  	_ = 	snop  }
0x55: {  	[tilespmem:s18], [sflag:$0x1] =	stream.indirect_vreg.gather [hbm4b:s6+s2], $0x80, v4, vm0, $0xb8;
	[tilespmem:$0x10080] =	vst v63  }
0x56: {  	_ = 	snop  }
0x57: {  	[tilespmem:s19], [sflag:$0x1] =	stream.indirect_vreg.gather [hbm4b:s3+s2], $0x80, v3, vm0, $0xb8;
	[tilespmem:$0x10080] =	vst v63  }
0x58: {  	_ = 	snop  }
0x59: {  	[tilespmem:s20], [sflag:$0x1] =	stream.indirect_vreg.gather [hbm4b:s4+s2], $0x80, v3, vm0, $0xb8;
	[tilespmem:$0x10080] =	vst v63  }
0x5a: {  	_ = 	snop  }
0x5b: {  	[tilespmem:s21], [sflag:$0x1] =	stream.indirect_vreg.gather [hbm4b:s5+s2], $0x80, v3, vm0, $0xb8;
	[tilespmem:$0x10080] =	vst v63  }
0x5c: {  	_ = 	snop  }
0x5d: {  	[tilespmem:s22], [sflag:$0x1] =	stream.indirect_vreg.gather [hbm4b:s6+s2], $0x80, v3, vm0, $0xb8;
	[tilespmem:$0x10080] =	vst v63  }
0x5e: {  	v3 =	vld [tilespmem:$0x30];
	_ =	sdelay $0x4  }
0x5f: {  	v63 =	vshll.u32 v3, $0x3  }
0x60: {  	v3 =	vand.u32 $0x7, v3;
	v4 =	vand.u32 $0xFFFFFFC0, v63  }
0x61: {  	v3 =	vor.u32 v3, v4  }
0x62: {  	v4 =	vperm.xlane v3, v0;
	_ =	sdelay $0x1  }
0x63: {  	v4 =	vadd.s32 v1, v4;
	_ =	sdelay $0x4  }
0x64: {  	[tilespmem:s23], [sflag:$0x1] =	stream.indirect_vreg.gather [hbm4b:s3+s2], $0x80, v4, vm0, $0xb8;
	[tilespmem:$0x10080] =	vst v63  }
0x65: {  	v3 =	vperm.xlane v3, v2  }
0x66: {  	[tilespmem:s24], [sflag:$0x1] =	stream.indirect_vreg.gather [hbm4b:s4+s2], $0x80, v4, vm0, $0xb8;
	[tilespmem:$0x10080] =	vst v63  }
0x67: {  	v3 =	vadd.s32 v1, v3  }
0x68: {  	[tilespmem:s25], [sflag:$0x1] =	stream.indirect_vreg.gather [hbm4b:s5+s2], $0x80, v4, vm0, $0xb8;
	[tilespmem:$0x10080] =	vst v63  }
0x69: {  	_ = 	snop  }
0x6a: {  	[tilespmem:s26], [sflag:$0x1] =	stream.indirect_vreg.gather [hbm4b:s6+s2], $0x80, v4, vm0, $0xb8;
	[tilespmem:$0x10080] =	vst v63  }
0x6b: {  	_ = 	snop  }
0x6c: {  	[tilespmem:s28], [sflag:$0x1] =	stream.indirect_vreg.gather [hbm4b:s3+s2], $0x80, v3, vm0, $0xb8;
	[tilespmem:$0x10080] =	vst v63  }
0x6d: {  	_ = 	snop  }
0x6e: {  	[tilespmem:s29], [sflag:$0x1] =	stream.indirect_vreg.gather [hbm4b:s4+s2], $0x80, v3, vm0, $0xb8;
	[tilespmem:$0x10080] =	vst v63  }
0x6f: {  	_ = 	snop  }
0x70: {  	[tilespmem:s30], [sflag:$0x1] =	stream.indirect_vreg.gather [hbm4b:s5+s2], $0x80, v3, vm0, $0xb8;
	[tilespmem:$0x10080] =	vst v63  }
0x71: {  	_ = 	snop  }
0x72: {  	[tilespmem:s31], [sflag:$0x1] =	stream.indirect_vreg.gather [hbm4b:s6+s2], $0x80, v3, vm0, $0xb8;
	[tilespmem:$0x10080] =	vst v63  }
0x73: {  	_ =	swait.ge [sflag:s1], $0x10000  }
0x74: {  	p0 =	sne.s32 s7, $0x1;
	[sflag:s1] =	ssyncset.done $0x0  }
.Ltmp0:
0x75: {  	s10 =	rddreg [dreg:$0x4];
	[sflag:s1] =	ssyncadd.s32 $0xFFFF0000;
	(pc) =	sbr.rel @p0 .LBB2_1-.Ltmp0, $4  }
0x76: {  	[hbm4b:s10+s2] =	stream.linear.scatter [tilespmem:s9], [sflag:$0x2], $0x10000, $0x38;
	[tilespmem:$0x10080] =	vst v63  }
0x77: {  	_ =	swait.ge [sflag:s8], $0x10000  }
0x78: {  	[sflag:s8] =	ssyncset.done $0x0  }
0x79: {  	s7 =	sadd.s32 $0xFFFFFFFF, s7;
	[sflag:s8] =	ssyncadd.s32 $0xFFFF0000  }
0x7a: {  	_ =	sfence.sel $0x180000  }
0x7b: {  	[bflag:$0x0] =	sbarrier.arrive $0xFFFF  }
0x7c: {  	_ =	strace $0x9000004A  }
0x7d: {  	s0 =	stileid.u32;
	[bflag:$0x2] =	sbarrier.arrive $0xFFFF  }
0x7e: {  	p0 =	sne.s32 s0, $0x0;
	s0 =	rddreg [dreg:$0x2]  }
0x7f: {  	s0 =	sadd.s32 @!p0 $0x100000, s0  }
0x80: {  	[sflag:s0] =	ssyncadd.tile.s32 @!p0 $0x1;
	_ =	shalt  }
.Lfunc_end2:
_tile_overlayer_lowered:
.L_overlay_start_2:
0x81: {  	(tag) =	ssettag $0x2  }
0x82: {  	s0 =	rddreg [dreg:$0x0];
	s2 =	stileid.u32  }
0x83: {  	s1 =	rddreg [dreg:$0x1];
	p0 =	sne.s32 s2, $0x0  }
0x84: {  	s3 =	rddreg [dreg:$0x2];
	[bflag:$0x3] =	sbarrier.arrive $0xFFFF;
	s2 =	simm.s32 @!p0 $0x1C02  }
0x85: {  	[timem:s3], [sflag:s2] =	dma.local @!p0 [hbm:s0], s1  }
0x86: {  	s0 =	simm.s32 @!p0 $0x2  }
0x87: {  	_ =	swait.ge @!p0 [sflag:s0], s1  }
0x88: {  	s1 =	ssub.s32 @!p0 $0x0, s1;
	[sflag:s0] =	ssyncset.done @!p0 $0x0  }
0x89: {  	[sflag:s0] =	ssyncadd.s32 @!p0 s1  }
0x8a: {  	[bflag:$0x3] =	sbarrier.arrive $0xFFFF  }
0x8b: {  	_ =	shalt  }

</sc_bundles>
